<compile_context>
chip_gen: v7x
topology: tpu7x:2x2x1
jax: 0.10.2.dev20260603
libtpu: 0.0.44.dev20260713+nightly
codegen_flags: <defaults>
</compile_context>

<pallas_src>
import functools

import jax
import jax.numpy as jnp
from jax import lax
from jax.experimental import pallas as pl
from jax.experimental.pallas import tpu as pltpu
from jax.experimental.pallas import tpu_sc as plsc

N_ROWS = 100000
D = 128
NC = 2
NS = 16
NW = NC * NS

CHUNK = 64
RW = 3128
RW31 = 3032
NFULL = 48
TAIL = RW - NFULL * CHUNK
TAIL31 = RW31 - 47 * CHUNK
NBUF = 12

_mesh = plsc.VectorSubcoreMesh(core_axis_name="c", subcore_axis_name="s")

_scratch = (
    [pltpu.VMEM((RW,), jnp.int32)]
    + [pltpu.VMEM((CHUNK, D), jnp.float32) for _ in range(NBUF)]
    + [pltpu.VMEM((TAIL, D), jnp.float32)]
    + [pltpu.SemaphoreType.DMA for _ in range(2 * NBUF + 2)]
)


@functools.partial(
    pl.kernel,
    out_type=jax.ShapeDtypeStruct((N_ROWS, D), jnp.float32),
    mesh=_mesh,
    scratch_types=_scratch,
)
def _gather_kernel(idx_hbm, tbl_hbm, out_hbm, idx_v, *rest):
    bufs = rest[:NBUF]
    tbuf = rest[NBUF]
    gsems = rest[NBUF + 1:2 * NBUF + 1]
    ssems = rest[2 * NBUF + 1:3 * NBUF + 1]
    tgsem = rest[3 * NBUF + 1]
    tssem = rest[3 * NBUF + 2]

    w = lax.axis_index("s") * NC + lax.axis_index("c")
    r0 = w * RW

    @pl.when(w < NW - 1)
    def _():
        pltpu.sync_copy(idx_hbm.at[pl.ds(r0, RW)], idx_v)

    @pl.when(w == NW - 1)
    def _():
        pltpu.sync_copy(idx_hbm.at[pl.ds(r0, RW31)], idx_v.at[pl.ds(0, RW31)])

    def start_gather(c, b):
        pltpu.async_copy(
            tbl_hbm.at[idx_v.at[pl.ds(c * CHUNK, CHUNK)]], bufs[b], gsems[b]
        )

    def start_store(c, b):
        pltpu.async_copy(
            bufs[b], out_hbm.at[pl.ds(r0 + c * CHUNK, CHUNK)], ssems[b]
        )

    def wait_gather(b):
        pltpu.make_async_copy(
            tbl_hbm.at[idx_v.at[pl.ds(0, CHUNK)]], bufs[b], gsems[b]
        ).wait()

    def wait_store(b):
        pltpu.make_async_copy(
            bufs[b], out_hbm.at[pl.ds(0, CHUNK)], ssems[b]
        ).wait()

    for c in range(NBUF - 1):
        start_gather(c, c)

    @pl.when(w < NW - 1)
    def _():
        pltpu.async_copy(
            tbl_hbm.at[idx_v.at[pl.ds(NFULL * CHUNK, TAIL)]], tbuf, tgsem
        )

    @pl.when(w == NW - 1)
    def _():
        pltpu.async_copy(
            tbl_hbm.at[idx_v.at[pl.ds(47 * CHUNK, TAIL31)]],
            tbuf.at[pl.ds(0, TAIL31)],
            tgsem,
        )

    for c in range(NBUF):
        wait_gather(c)
        start_store(c, c)
        if c >= 1:
            wait_store(c - 1)
        start_gather(c + NBUF - 1, (c + NBUF - 1) % NBUF)

    @pl.loop(1, 3)
    def _(i):
        c0 = i * NBUF
        for b in range(NBUF):
            wait_gather(b)
            start_store(c0 + b, b)
            wait_store((b + NBUF - 1) % NBUF)
            start_gather(c0 + b + NBUF - 1, (b + NBUF - 1) % NBUF)

    wait_gather(0)
    start_store(36, 0)
    wait_store(NBUF - 1)

    @pl.when(w < NW - 1)
    def _():
        start_gather(47, NBUF - 1)

    for c in range(37, 47):
        wait_gather(c % NBUF)
        start_store(c, c % NBUF)

    @pl.when(w < NW - 1)
    def _():
        wait_gather(NBUF - 1)
        start_store(47, NBUF - 1)

    for b in range(NBUF - 1):
        wait_store(b)

    @pl.when(w < NW - 1)
    def _():
        wait_store(NBUF - 1)
        pltpu.make_async_copy(
            tbl_hbm.at[idx_v.at[pl.ds(0, TAIL)]], tbuf, tgsem
        ).wait()
        pltpu.async_copy(
            tbuf, out_hbm.at[pl.ds(r0 + NFULL * CHUNK, TAIL)], tssem
        )
        pltpu.make_async_copy(
            tbuf, out_hbm.at[pl.ds(0, TAIL)], tssem
        ).wait()

    @pl.when(w == NW - 1)
    def _():
        pltpu.make_async_copy(
            tbl_hbm.at[idx_v.at[pl.ds(0, TAIL31)]],
            tbuf.at[pl.ds(0, TAIL31)],
            tgsem,
        ).wait()
        pltpu.async_copy(
            tbuf.at[pl.ds(0, TAIL31)],
            out_hbm.at[pl.ds(r0 + 47 * CHUNK, TAIL31)],
            tssem,
        )
        pltpu.make_async_copy(
            tbuf.at[pl.ds(0, TAIL31)],
            out_hbm.at[pl.ds(0, TAIL31)],
            tssem,
        ).wait()


def kernel(x, edge_index, batch, emb_table):
    idx = jnp.squeeze(x, axis=1)
    return _gather_kernel(idx, emb_table)

# --- scband reference (transcript-rebuilt; emitter-appended) ---
"""Pipeline reference for scband-model-44573170597947 (READ-ONLY COPY).

The authoritative reference and input builder live on the scoring server;
editing this copy changes nothing except your own understanding.
"""

import jax, jax.numpy as jnp
import numpy as np

N_NODES = 100000
N_EDGES = 1600000
N_NODE_TYPES = 100000
EMB_DIM = 128
N_GRAPHS = 64


def setup_inputs(seed: int = 0) -> dict:
    key = jax.random.key(seed)
    k1, k2, k3, k4 = jax.random.split(key, 4)
    x = jax.random.randint(k1, (N_NODES, 1), 0, N_NODE_TYPES, dtype=jnp.int32)
    edge_index = jax.random.randint(k2, (2, N_EDGES), 0, N_NODES, dtype=jnp.int32)
    batch = jnp.sort(jax.random.randint(k3, (N_NODES,), 0, N_GRAPHS, dtype=jnp.int32))
    emb_table = jax.random.normal(k4, (N_NODE_TYPES, EMB_DIM), dtype=jnp.float32) * 0.02
    return {"x": x, "edge_index": edge_index, "batch": batch, "emb_table": emb_table}


def reference(x, edge_index, batch, emb_table):
    # X_n = self.node_features(batch.x.squeeze(dim=1))  -- nn.Embedding lookup
    idx = jnp.squeeze(x, axis=1)
    X_n = jnp.take(emb_table, idx, axis=0)
    # positional_encoding is None -> PE = None, no pe_embedding branch taken
    # base_model is treated as identity on node features (returns X_n);
    # edge_index / batch are passed through unchanged by the identity base_model.
    return X_n

if __name__ == "__main__":
    import jax
    _d = setup_inputs()
    print(jax.jit(kernel)(*tuple(_d.values())))

</pallas_src>

<mosaic_0001>
#map = affine_map<(d0, d1) -> (0)>
#map1 = affine_map<(d0, d1) -> (0, 0)>
module attributes {stable_mosaic.version = 14 : i64} {
  func.func @_gather_kernel(%arg0: i32, %arg1: i32, %arg2: memref<100000xi32, #tpu.memory_space<hbm>>, %arg3: memref<100000x128xf32, #tpu.memory_space<hbm>>, %arg4: memref<100000x128xf32, #tpu.memory_space<hbm>>, %arg5: memref<3128xi32, #tpu.memory_space<vmem>>, %arg6: memref<64x128xf32, #tpu.memory_space<vmem>>, %arg7: memref<64x128xf32, #tpu.memory_space<vmem>>, %arg8: memref<64x128xf32, #tpu.memory_space<vmem>>, %arg9: memref<64x128xf32, #tpu.memory_space<vmem>>, %arg10: memref<64x128xf32, #tpu.memory_space<vmem>>, %arg11: memref<64x128xf32, #tpu.memory_space<vmem>>, %arg12: memref<64x128xf32, #tpu.memory_space<vmem>>, %arg13: memref<64x128xf32, #tpu.memory_space<vmem>>, %arg14: memref<64x128xf32, #tpu.memory_space<vmem>>, %arg15: memref<64x128xf32, #tpu.memory_space<vmem>>, %arg16: memref<64x128xf32, #tpu.memory_space<vmem>>, %arg17: memref<64x128xf32, #tpu.memory_space<vmem>>, %arg18: memref<56x128xf32, #tpu.memory_space<vmem>>, %arg19: memref<!tpu.dma_semaphore, #tpu.memory_space<semaphore_mem>>, %arg20: memref<!tpu.dma_semaphore, #tpu.memory_space<semaphore_mem>>, %arg21: memref<!tpu.dma_semaphore, #tpu.memory_space<semaphore_mem>>, %arg22: memref<!tpu.dma_semaphore, #tpu.memory_space<semaphore_mem>>, %arg23: memref<!tpu.dma_semaphore, #tpu.memory_space<semaphore_mem>>, %arg24: memref<!tpu.dma_semaphore, #tpu.memory_space<semaphore_mem>>, %arg25: memref<!tpu.dma_semaphore, #tpu.memory_space<semaphore_mem>>, %arg26: memref<!tpu.dma_semaphore, #tpu.memory_space<semaphore_mem>>, %arg27: memref<!tpu.dma_semaphore, #tpu.memory_space<semaphore_mem>>, %arg28: memref<!tpu.dma_semaphore, #tpu.memory_space<semaphore_mem>>, %arg29: memref<!tpu.dma_semaphore, #tpu.memory_space<semaphore_mem>>, %arg30: memref<!tpu.dma_semaphore, #tpu.memory_space<semaphore_mem>>, %arg31: memref<!tpu.dma_semaphore, #tpu.memory_space<semaphore_mem>>, %arg32: memref<!tpu.dma_semaphore, #tpu.memory_space<semaphore_mem>>, %arg33: memref<!tpu.dma_semaphore, #tpu.memory_space<semaphore_mem>>, %arg34: memref<!tpu.dma_semaphore, #tpu.memory_space<semaphore_mem>>, %arg35: memref<!tpu.dma_semaphore, #tpu.memory_space<semaphore_mem>>, %arg36: memref<!tpu.dma_semaphore, #tpu.memory_space<semaphore_mem>>, %arg37: memref<!tpu.dma_semaphore, #tpu.memory_space<semaphore_mem>>, %arg38: memref<!tpu.dma_semaphore, #tpu.memory_space<semaphore_mem>>, %arg39: memref<!tpu.dma_semaphore, #tpu.memory_space<semaphore_mem>>, %arg40: memref<!tpu.dma_semaphore, #tpu.memory_space<semaphore_mem>>, %arg41: memref<!tpu.dma_semaphore, #tpu.memory_space<semaphore_mem>>, %arg42: memref<!tpu.dma_semaphore, #tpu.memory_space<semaphore_mem>>, %arg43: memref<!tpu.dma_semaphore, #tpu.memory_space<semaphore_mem>>, %arg44: memref<!tpu.dma_semaphore, #tpu.memory_space<semaphore_mem>>) attributes {dimension_semantics = [#tpu.dimension_semantics<core_parallel>, #tpu.dimension_semantics<subcore_parallel>], iteration_bounds = array<i64: 2, 16>, scalar_prefetch = 0 : i64, scratch_operands = 40 : i64, tpu.core_type = #tpu.core_type<sc_vector_subcore>, window_params = [{transform_indices = #map}, {transform_indices = #map1}, {transform_indices = #map1}]} {
    %mul3A = arith.constant 2 : i32
    %mul3A_0 = arith.muli %arg1, %mul3A : i32
    %add3A = arith.addi %mul3A_0, %arg0 : i32
    %mul3A_1 = arith.constant 3128 : i32
    %mul3A_2 = arith.muli %add3A, %mul3A_1 : i32
    %lt3A = arith.constant 31 : i32
    %lt3A_3 = arith.cmpi slt, %add3A, %lt3A : i32
    %convert_element_type3A = arith.extui %lt3A_3 : i1 to i32
    %cond3A = arith.constant 0 : i32
    %cond3A_4 = arith.cmpi ne, %convert_element_type3A, %cond3A : i32
    scf.if %cond3A_4 {
      "tpu.region"() ({
        %run_scoped3A = tpu.sem_alloc : memref<!tpu.dma_semaphore, #tpu.memory_space<semaphore_mem>>
        %dma_start3A_547 = tpu.memref_slice %arg2[%mul3A_2] : memref<100000xi32, #tpu.memory_space<hbm>> -> memref<3128xi32, #tpu.memory_space<hbm>>
        %dma_start3A_548 = tpu.memref_slice %arg2[%mul3A_2] : memref<100000xi32, #tpu.memory_space<hbm>> -> memref<3128xi32, #tpu.memory_space<hbm>>
        tpu.enqueue_dma source(%dma_start3A_548 : memref<3128xi32, #tpu.memory_space<hbm>>) target(%arg5 : memref<3128xi32, #tpu.memory_space<vmem>>) target_semaphore(%run_scoped3A : memref<!tpu.dma_semaphore, #tpu.memory_space<semaphore_mem>>)
        %dma_wait3A_549 = tpu.memref_slice %arg2[%mul3A_2] : memref<100000xi32, #tpu.memory_space<hbm>> -> memref<3128xi32, #tpu.memory_space<hbm>>
        %dma_wait3A_550 = tpu.memref_slice %arg2[%mul3A_2] : memref<100000xi32, #tpu.memory_space<hbm>> -> memref<3128xi32, #tpu.memory_space<hbm>>
        tpu.wait_dma2 semaphore(%run_scoped3A : memref<!tpu.dma_semaphore, #tpu.memory_space<semaphore_mem>>) src(%dma_wait3A_550 : memref<3128xi32, #tpu.memory_space<hbm>>) dst(%arg5 : memref<3128xi32, #tpu.memory_space<vmem>>)
        tpu.yield
      }) : () -> ()
    } else {
    }
    %eq3A = arith.constant 31 : i32
    %eq3A_5 = arith.cmpi eq, %add3A, %eq3A : i32
    %convert_element_type3A_6 = arith.extui %eq3A_5 : i1 to i32
    %cond3A_7 = arith.constant 0 : i32
    %cond3A_8 = arith.cmpi ne, %convert_element_type3A_6, %cond3A_7 : i32
    scf.if %cond3A_8 {
      "tpu.region"() ({
        %run_scoped3A = tpu.sem_alloc : memref<!tpu.dma_semaphore, #tpu.memory_space<semaphore_mem>>
        %dma_start3A_547 = arith.constant 0 : i32
        %dma_start3A_548 = tpu.memref_slice %arg5[%dma_start3A_547] : memref<3128xi32, #tpu.memory_space<vmem>> -> memref<3032xi32, #tpu.memory_space<vmem>>
        %dma_start3A_549 = tpu.memref_slice %arg2[%mul3A_2] : memref<100000xi32, #tpu.memory_space<hbm>> -> memref<3032xi32, #tpu.memory_space<hbm>>
        %dma_start3A_550 = arith.constant 0 : i32
        %dma_start3A_551 = tpu.memref_slice %arg5[%dma_start3A_550] : memref<3128xi32, #tpu.memory_space<vmem>> -> memref<3032xi32, #tpu.memory_space<vmem>>
        %dma_start3A_552 = tpu.memref_slice %arg2[%mul3A_2] : memref<100000xi32, #tpu.memory_space<hbm>> -> memref<3032xi32, #tpu.memory_space<hbm>>
        tpu.enqueue_dma source(%dma_start3A_552 : memref<3032xi32, #tpu.memory_space<hbm>>) target(%dma_start3A_551 : memref<3032xi32, #tpu.memory_space<vmem>>) target_semaphore(%run_scoped3A : memref<!tpu.dma_semaphore, #tpu.memory_space<semaphore_mem>>)
        %dma_wait3A_553 = arith.constant 0 : i32
        %dma_wait3A_554 = tpu.memref_slice %arg5[%dma_wait3A_553] : memref<3128xi32, #tpu.memory_space<vmem>> -> memref<3032xi32, #tpu.memory_space<vmem>>
        %dma_wait3A_555 = tpu.memref_slice %arg2[%mul3A_2] : memref<100000xi32, #tpu.memory_space<hbm>> -> memref<3032xi32, #tpu.memory_space<hbm>>
        %dma_wait3A_556 = arith.constant 0 : i32
        %dma_wait3A_557 = tpu.memref_slice %arg5[%dma_wait3A_556] : memref<3128xi32, #tpu.memory_space<vmem>> -> memref<3032xi32, #tpu.memory_space<vmem>>
        %dma_wait3A_558 = tpu.memref_slice %arg2[%mul3A_2] : memref<100000xi32, #tpu.memory_space<hbm>> -> memref<3032xi32, #tpu.memory_space<hbm>>
        tpu.wait_dma2 semaphore(%run_scoped3A : memref<!tpu.dma_semaphore, #tpu.memory_space<semaphore_mem>>) src(%dma_wait3A_558 : memref<3032xi32, #tpu.memory_space<hbm>>) dst(%dma_wait3A_557 : memref<3032xi32, #tpu.memory_space<vmem>>)
        tpu.yield
      }) : () -> ()
    } else {
    }
    %dma_start3A = arith.constant 0 : i32
    %dma_start3A_9 = tpu.memref_slice %arg5[%dma_start3A] : memref<3128xi32, #tpu.memory_space<vmem>> -> memref<64xi32, #tpu.memory_space<vmem>>
    %dma_start3A_10 = arith.constant 0 : i32
    %dma_start3A_11 = arith.constant 0 : i32
    %dma_start3A_12 = tpu.memref_slice %arg3[%dma_start3A_10, %dma_start3A_11] : memref<100000x128xf32, #tpu.memory_space<hbm>> -> memref<100000x128xf32, #tpu.memory_space<hbm>>
    tpu.enqueue_indirect_dma source(%dma_start3A_12 : memref<100000x128xf32, #tpu.memory_space<hbm>>) target(%arg6 : memref<64x128xf32, #tpu.memory_space<vmem>>) offsets(%dma_start3A_9 : memref<64xi32, #tpu.memory_space<vmem>>) semaphore(%arg19 : memref<!tpu.dma_semaphore, #tpu.memory_space<semaphore_mem>>)
    %dma_start3A_13 = arith.constant 64 : i32
    %dma_start3A_14 = tpu.memref_slice %arg5[%dma_start3A_13] : memref<3128xi32, #tpu.memory_space<vmem>> -> memref<64xi32, #tpu.memory_space<vmem>>
    %dma_start3A_15 = arith.constant 0 : i32
    %dma_start3A_16 = arith.constant 0 : i32
    %dma_start3A_17 = tpu.memref_slice %arg3[%dma_start3A_15, %dma_start3A_16] : memref<100000x128xf32, #tpu.memory_space<hbm>> -> memref<100000x128xf32, #tpu.memory_space<hbm>>
    tpu.enqueue_indirect_dma source(%dma_start3A_17 : memref<100000x128xf32, #tpu.memory_space<hbm>>) target(%arg7 : memref<64x128xf32, #tpu.memory_space<vmem>>) offsets(%dma_start3A_14 : memref<64xi32, #tpu.memory_space<vmem>>) semaphore(%arg20 : memref<!tpu.dma_semaphore, #tpu.memory_space<semaphore_mem>>)
    %dma_start3A_18 = arith.constant 128 : i32
    %dma_start3A_19 = tpu.memref_slice %arg5[%dma_start3A_18] : memref<3128xi32, #tpu.memory_space<vmem>> -> memref<64xi32, #tpu.memory_space<vmem>>
    %dma_start3A_20 = arith.constant 0 : i32
    %dma_start3A_21 = arith.constant 0 : i32
    %dma_start3A_22 = tpu.memref_slice %arg3[%dma_start3A_20, %dma_start3A_21] : memref<100000x128xf32, #tpu.memory_space<hbm>> -> memref<100000x128xf32, #tpu.memory_space<hbm>>
    tpu.enqueue_indirect_dma source(%dma_start3A_22 : memref<100000x128xf32, #tpu.memory_space<hbm>>) target(%arg8 : memref<64x128xf32, #tpu.memory_space<vmem>>) offsets(%dma_start3A_19 : memref<64xi32, #tpu.memory_space<vmem>>) semaphore(%arg21 : memref<!tpu.dma_semaphore, #tpu.memory_space<semaphore_mem>>)
    %dma_start3A_23 = arith.constant 192 : i32
    %dma_start3A_24 = tpu.memref_slice %arg5[%dma_start3A_23] : memref<3128xi32, #tpu.memory_space<vmem>> -> memref<64xi32, #tpu.memory_space<vmem>>
    %dma_start3A_25 = arith.constant 0 : i32
    %dma_start3A_26 = arith.constant 0 : i32
    %dma_start3A_27 = tpu.memref_slice %arg3[%dma_start3A_25, %dma_start3A_26] : memref<100000x128xf32, #tpu.memory_space<hbm>> -> memref<100000x128xf32, #tpu.memory_space<hbm>>
    tpu.enqueue_indirect_dma source(%dma_start3A_27 : memref<100000x128xf32, #tpu.memory_space<hbm>>) target(%arg9 : memref<64x128xf32, #tpu.memory_space<vmem>>) offsets(%dma_start3A_24 : memref<64xi32, #tpu.memory_space<vmem>>) semaphore(%arg22 : memref<!tpu.dma_semaphore, #tpu.memory_space<semaphore_mem>>)
    %dma_start3A_28 = arith.constant 256 : i32
    %dma_start3A_29 = tpu.memref_slice %arg5[%dma_start3A_28] : memref<3128xi32, #tpu.memory_space<vmem>> -> memref<64xi32, #tpu.memory_space<vmem>>
    %dma_start3A_30 = arith.constant 0 : i32
    %dma_start3A_31 = arith.constant 0 : i32
    %dma_start3A_32 = tpu.memref_slice %arg3[%dma_start3A_30, %dma_start3A_31] : memref<100000x128xf32, #tpu.memory_space<hbm>> -> memref<100000x128xf32, #tpu.memory_space<hbm>>
    tpu.enqueue_indirect_dma source(%dma_start3A_32 : memref<100000x128xf32, #tpu.memory_space<hbm>>) target(%arg10 : memref<64x128xf32, #tpu.memory_space<vmem>>) offsets(%dma_start3A_29 : memref<64xi32, #tpu.memory_space<vmem>>) semaphore(%arg23 : memref<!tpu.dma_semaphore, #tpu.memory_space<semaphore_mem>>)
    %dma_start3A_33 = arith.constant 320 : i32
    %dma_start3A_34 = tpu.memref_slice %arg5[%dma_start3A_33] : memref<3128xi32, #tpu.memory_space<vmem>> -> memref<64xi32, #tpu.memory_space<vmem>>
    %dma_start3A_35 = arith.constant 0 : i32
    %dma_start3A_36 = arith.constant 0 : i32
    %dma_start3A_37 = tpu.memref_slice %arg3[%dma_start3A_35, %dma_start3A_36] : memref<100000x128xf32, #tpu.memory_space<hbm>> -> memref<100000x128xf32, #tpu.memory_space<hbm>>
    tpu.enqueue_indirect_dma source(%dma_start3A_37 : memref<100000x128xf32, #tpu.memory_space<hbm>>) target(%arg11 : memref<64x128xf32, #tpu.memory_space<vmem>>) offsets(%dma_start3A_34 : memref<64xi32, #tpu.memory_space<vmem>>) semaphore(%arg24 : memref<!tpu.dma_semaphore, #tpu.memory_space<semaphore_mem>>)
    %dma_start3A_38 = arith.constant 384 : i32
    %dma_start3A_39 = tpu.memref_slice %arg5[%dma_start3A_38] : memref<3128xi32, #tpu.memory_space<vmem>> -> memref<64xi32, #tpu.memory_space<vmem>>
    %dma_start3A_40 = arith.constant 0 : i32
    %dma_start3A_41 = arith.constant 0 : i32
    %dma_start3A_42 = tpu.memref_slice %arg3[%dma_start3A_40, %dma_start3A_41] : memref<100000x128xf32, #tpu.memory_space<hbm>> -> memref<100000x128xf32, #tpu.memory_space<hbm>>
    tpu.enqueue_indirect_dma source(%dma_start3A_42 : memref<100000x128xf32, #tpu.memory_space<hbm>>) target(%arg12 : memref<64x128xf32, #tpu.memory_space<vmem>>) offsets(%dma_start3A_39 : memref<64xi32, #tpu.memory_space<vmem>>) semaphore(%arg25 : memref<!tpu.dma_semaphore, #tpu.memory_space<semaphore_mem>>)
    %dma_start3A_43 = arith.constant 448 : i32
    %dma_start3A_44 = tpu.memref_slice %arg5[%dma_start3A_43] : memref<3128xi32, #tpu.memory_space<vmem>> -> memref<64xi32, #tpu.memory_space<vmem>>
    %dma_start3A_45 = arith.constant 0 : i32
    %dma_start3A_46 = arith.constant 0 : i32
    %dma_start3A_47 = tpu.memref_slice %arg3[%dma_start3A_45, %dma_start3A_46] : memref<100000x128xf32, #tpu.memory_space<hbm>> -> memref<100000x128xf32, #tpu.memory_space<hbm>>
    tpu.enqueue_indirect_dma source(%dma_start3A_47 : memref<100000x128xf32, #tpu.memory_space<hbm>>) target(%arg13 : memref<64x128xf32, #tpu.memory_space<vmem>>) offsets(%dma_start3A_44 : memref<64xi32, #tpu.memory_space<vmem>>) semaphore(%arg26 : memref<!tpu.dma_semaphore, #tpu.memory_space<semaphore_mem>>)
    %dma_start3A_48 = arith.constant 512 : i32
    %dma_start3A_49 = tpu.memref_slice %arg5[%dma_start3A_48] : memref<3128xi32, #tpu.memory_space<vmem>> -> memref<64xi32, #tpu.memory_space<vmem>>
    %dma_start3A_50 = arith.constant 0 : i32
    %dma_start3A_51 = arith.constant 0 : i32
    %dma_start3A_52 = tpu.memref_slice %arg3[%dma_start3A_50, %dma_start3A_51] : memref<100000x128xf32, #tpu.memory_space<hbm>> -> memref<100000x128xf32, #tpu.memory_space<hbm>>
    tpu.enqueue_indirect_dma source(%dma_start3A_52 : memref<100000x128xf32, #tpu.memory_space<hbm>>) target(%arg14 : memref<64x128xf32, #tpu.memory_space<vmem>>) offsets(%dma_start3A_49 : memref<64xi32, #tpu.memory_space<vmem>>) semaphore(%arg27 : memref<!tpu.dma_semaphore, #tpu.memory_space<semaphore_mem>>)
    %dma_start3A_53 = arith.constant 576 : i32
    %dma_start3A_54 = tpu.memref_slice %arg5[%dma_start3A_53] : memref<3128xi32, #tpu.memory_space<vmem>> -> memref<64xi32, #tpu.memory_space<vmem>>
    %dma_start3A_55 = arith.constant 0 : i32
    %dma_start3A_56 = arith.constant 0 : i32
    %dma_start3A_57 = tpu.memref_slice %arg3[%dma_start3A_55, %dma_start3A_56] : memref<100000x128xf32, #tpu.memory_space<hbm>> -> memref<100000x128xf32, #tpu.memory_space<hbm>>
    tpu.enqueue_indirect_dma source(%dma_start3A_57 : memref<100000x128xf32, #tpu.memory_space<hbm>>) target(%arg15 : memref<64x128xf32, #tpu.memory_space<vmem>>) offsets(%dma_start3A_54 : memref<64xi32, #tpu.memory_space<vmem>>) semaphore(%arg28 : memref<!tpu.dma_semaphore, #tpu.memory_space<semaphore_mem>>)
    %dma_start3A_58 = arith.constant 640 : i32
    %dma_start3A_59 = tpu.memref_slice %arg5[%dma_start3A_58] : memref<3128xi32, #tpu.memory_space<vmem>> -> memref<64xi32, #tpu.memory_space<vmem>>
    %dma_start3A_60 = arith.constant 0 : i32
    %dma_start3A_61 = arith.constant 0 : i32
    %dma_start3A_62 = tpu.memref_slice %arg3[%dma_start3A_60, %dma_start3A_61] : memref<100000x128xf32, #tpu.memory_space<hbm>> -> memref<100000x128xf32, #tpu.memory_space<hbm>>
    tpu.enqueue_indirect_dma source(%dma_start3A_62 : memref<100000x128xf32, #tpu.memory_space<hbm>>) target(%arg16 : memref<64x128xf32, #tpu.memory_space<vmem>>) offsets(%dma_start3A_59 : memref<64xi32, #tpu.memory_space<vmem>>) semaphore(%arg29 : memref<!tpu.dma_semaphore, #tpu.memory_space<semaphore_mem>>)
    %lt3A_63 = arith.constant 31 : i32
    %lt3A_64 = arith.cmpi slt, %add3A, %lt3A_63 : i32
    %convert_element_type3A_65 = arith.extui %lt3A_64 : i1 to i32
    %cond3A_66 = arith.constant 0 : i32
    %cond3A_67 = arith.cmpi ne, %convert_element_type3A_65, %cond3A_66 : i32
    scf.if %cond3A_67 {
      %dma_start3A_547 = arith.constant 3072 : i32
      %dma_start3A_548 = tpu.memref_slice %arg5[%dma_start3A_547] : memref<3128xi32, #tpu.memory_space<vmem>> -> memref<56xi32, #tpu.memory_space<vmem>>
      %dma_start3A_549 = arith.constant 0 : i32
      %dma_start3A_550 = arith.constant 0 : i32
      %dma_start3A_551 = tpu.memref_slice %arg3[%dma_start3A_549, %dma_start3A_550] : memref<100000x128xf32, #tpu.memory_space<hbm>> -> memref<100000x128xf32, #tpu.memory_space<hbm>>
      tpu.enqueue_indirect_dma source(%dma_start3A_551 : memref<100000x128xf32, #tpu.memory_space<hbm>>) target(%arg18 : memref<56x128xf32, #tpu.memory_space<vmem>>) offsets(%dma_start3A_548 : memref<56xi32, #tpu.memory_space<vmem>>) semaphore(%arg43 : memref<!tpu.dma_semaphore, #tpu.memory_space<semaphore_mem>>)
    } else {
    }
    %eq3A_68 = arith.constant 31 : i32
    %eq3A_69 = arith.cmpi eq, %add3A, %eq3A_68 : i32
    %convert_element_type3A_70 = arith.extui %eq3A_69 : i1 to i32
    %cond3A_71 = arith.constant 0 : i32
    %cond3A_72 = arith.cmpi ne, %convert_element_type3A_70, %cond3A_71 : i32
    scf.if %cond3A_72 {
      %dma_start3A_547 = arith.constant 0 : i32
      %dma_start3A_548 = arith.constant 0 : i32
      %dma_start3A_549 = tpu.memref_slice %arg18[%dma_start3A_547, %dma_start3A_548] : memref<56x128xf32, #tpu.memory_space<vmem>> -> memref<24x128xf32, #tpu.memory_space<vmem>>
      %dma_start3A_550 = arith.constant 3008 : i32
      %dma_start3A_551 = tpu.memref_slice %arg5[%dma_start3A_550] : memref<3128xi32, #tpu.memory_space<vmem>> -> memref<24xi32, #tpu.memory_space<vmem>>
      %dma_start3A_552 = arith.constant 0 : i32
      %dma_start3A_553 = arith.constant 0 : i32
      %dma_start3A_554 = tpu.memref_slice %arg3[%dma_start3A_552, %dma_start3A_553] : memref<100000x128xf32, #tpu.memory_space<hbm>> -> memref<100000x128xf32, #tpu.memory_space<hbm>>
      tpu.enqueue_indirect_dma source(%dma_start3A_554 : memref<100000x128xf32, #tpu.memory_space<hbm>>) target(%dma_start3A_549 : memref<24x128xf32, #tpu.memory_space<vmem>>) offsets(%dma_start3A_551 : memref<24xi32, #tpu.memory_space<vmem>>) semaphore(%arg43 : memref<!tpu.dma_semaphore, #tpu.memory_space<semaphore_mem>>)
    } else {
    }
    %dma_wait3A = arith.constant 0 : i32
    %dma_wait3A_73 = tpu.memref_slice %arg5[%dma_wait3A] : memref<3128xi32, #tpu.memory_space<vmem>> -> memref<64xi32, #tpu.memory_space<vmem>>
    %dma_wait3A_74 = arith.constant 0 : i32
    %dma_wait3A_75 = arith.constant 0 : i32
    %dma_wait3A_76 = tpu.memref_slice %arg3[%dma_wait3A_74, %dma_wait3A_75] : memref<100000x128xf32, #tpu.memory_space<hbm>> -> memref<100000x128xf32, #tpu.memory_space<hbm>>
    tpu.wait_indirect_dma semaphore(%arg19 : memref<!tpu.dma_semaphore, #tpu.memory_space<semaphore_mem>>) src(%dma_wait3A_76 : memref<100000x128xf32, #tpu.memory_space<hbm>>) dst(%arg6 : memref<64x128xf32, #tpu.memory_space<vmem>>)
    %add3A_77 = arith.constant 0 : i32
    %add3A_78 = arith.addi %mul3A_2, %add3A_77 : i32
    %dma_start3A_79 = arith.constant 0 : i32
    %dma_start3A_80 = tpu.memref_slice %arg4[%add3A_78, %dma_start3A_79] : memref<100000x128xf32, #tpu.memory_space<hbm>> -> memref<64x128xf32, #tpu.memory_space<hbm>>
    %dma_start3A_81 = arith.constant 0 : i32
    %dma_start3A_82 = tpu.memref_slice %arg4[%add3A_78, %dma_start3A_81] : memref<100000x128xf32, #tpu.memory_space<hbm>> -> memref<64x128xf32, #tpu.memory_space<hbm>>
    tpu.enqueue_dma source(%arg6 : memref<64x128xf32, #tpu.memory_space<vmem>>) target(%dma_start3A_82 : memref<64x128xf32, #tpu.memory_space<hbm>>) target_semaphore(%arg31 : memref<!tpu.dma_semaphore, #tpu.memory_space<semaphore_mem>>)
    %dma_start3A_83 = arith.constant 704 : i32
    %dma_start3A_84 = tpu.memref_slice %arg5[%dma_start3A_83] : memref<3128xi32, #tpu.memory_space<vmem>> -> memref<64xi32, #tpu.memory_space<vmem>>
    %dma_start3A_85 = arith.constant 0 : i32
    %dma_start3A_86 = arith.constant 0 : i32
    %dma_start3A_87 = tpu.memref_slice %arg3[%dma_start3A_85, %dma_start3A_86] : memref<100000x128xf32, #tpu.memory_space<hbm>> -> memref<100000x128xf32, #tpu.memory_space<hbm>>
    tpu.enqueue_indirect_dma source(%dma_start3A_87 : memref<100000x128xf32, #tpu.memory_space<hbm>>) target(%arg17 : memref<64x128xf32, #tpu.memory_space<vmem>>) offsets(%dma_start3A_84 : memref<64xi32, #tpu.memory_space<vmem>>) semaphore(%arg30 : memref<!tpu.dma_semaphore, #tpu.memory_space<semaphore_mem>>)
    %dma_wait3A_88 = arith.constant 0 : i32
    %dma_wait3A_89 = tpu.memref_slice %arg5[%dma_wait3A_88] : memref<3128xi32, #tpu.memory_space<vmem>> -> memref<64xi32, #tpu.memory_space<vmem>>
    %dma_wait3A_90 = arith.constant 0 : i32
    %dma_wait3A_91 = arith.constant 0 : i32
    %dma_wait3A_92 = tpu.memref_slice %arg3[%dma_wait3A_90, %dma_wait3A_91] : memref<100000x128xf32, #tpu.memory_space<hbm>> -> memref<100000x128xf32, #tpu.memory_space<hbm>>
    tpu.wait_indirect_dma semaphore(%arg20 : memref<!tpu.dma_semaphore, #tpu.memory_space<semaphore_mem>>) src(%dma_wait3A_92 : memref<100000x128xf32, #tpu.memory_space<hbm>>) dst(%arg7 : memref<64x128xf32, #tpu.memory_space<vmem>>)
    %add3A_93 = arith.constant 64 : i32
    %add3A_94 = arith.addi %mul3A_2, %add3A_93 : i32
    %dma_start3A_95 = arith.constant 0 : i32
    %dma_start3A_96 = tpu.memref_slice %arg4[%add3A_94, %dma_start3A_95] : memref<100000x128xf32, #tpu.memory_space<hbm>> -> memref<64x128xf32, #tpu.memory_space<hbm>>
    %dma_start3A_97 = arith.constant 0 : i32
    %dma_start3A_98 = tpu.memref_slice %arg4[%add3A_94, %dma_start3A_97] : memref<100000x128xf32, #tpu.memory_space<hbm>> -> memref<64x128xf32, #tpu.memory_space<hbm>>
    tpu.enqueue_dma source(%arg7 : memref<64x128xf32, #tpu.memory_space<vmem>>) target(%dma_start3A_98 : memref<64x128xf32, #tpu.memory_space<hbm>>) target_semaphore(%arg32 : memref<!tpu.dma_semaphore, #tpu.memory_space<semaphore_mem>>)
    %dma_wait3A_99 = arith.constant 0 : i32
    %dma_wait3A_100 = arith.constant 0 : i32
    %dma_wait3A_101 = tpu.memref_slice %arg4[%dma_wait3A_99, %dma_wait3A_100] : memref<100000x128xf32, #tpu.memory_space<hbm>> -> memref<64x128xf32, #tpu.memory_space<hbm>>
    %dma_wait3A_102 = arith.constant 0 : i32
    %dma_wait3A_103 = arith.constant 0 : i32
    %dma_wait3A_104 = tpu.memref_slice %arg4[%dma_wait3A_102, %dma_wait3A_103] : memref<100000x128xf32, #tpu.memory_space<hbm>> -> memref<64x128xf32, #tpu.memory_space<hbm>>
    tpu.wait_dma2 semaphore(%arg31 : memref<!tpu.dma_semaphore, #tpu.memory_space<semaphore_mem>>) src(%arg6 : memref<64x128xf32, #tpu.memory_space<vmem>>) dst(%dma_wait3A_104 : memref<64x128xf32, #tpu.memory_space<hbm>>)
    %dma_start3A_105 = arith.constant 768 : i32
    %dma_start3A_106 = tpu.memref_slice %arg5[%dma_start3A_105] : memref<3128xi32, #tpu.memory_space<vmem>> -> memref<64xi32, #tpu.memory_space<vmem>>
    %dma_start3A_107 = arith.constant 0 : i32
    %dma_start3A_108 = arith.constant 0 : i32
    %dma_start3A_109 = tpu.memref_slice %arg3[%dma_start3A_107, %dma_start3A_108] : memref<100000x128xf32, #tpu.memory_space<hbm>> -> memref<100000x128xf32, #tpu.memory_space<hbm>>
    tpu.enqueue_indirect_dma source(%dma_start3A_109 : memref<100000x128xf32, #tpu.memory_space<hbm>>) target(%arg6 : memref<64x128xf32, #tpu.memory_space<vmem>>) offsets(%dma_start3A_106 : memref<64xi32, #tpu.memory_space<vmem>>) semaphore(%arg19 : memref<!tpu.dma_semaphore, #tpu.memory_space<semaphore_mem>>)
    %dma_wait3A_110 = arith.constant 0 : i32
    %dma_wait3A_111 = tpu.memref_slice %arg5[%dma_wait3A_110] : memref<3128xi32, #tpu.memory_space<vmem>> -> memref<64xi32, #tpu.memory_space<vmem>>
    %dma_wait3A_112 = arith.constant 0 : i32
    %dma_wait3A_113 = arith.constant 0 : i32
    %dma_wait3A_114 = tpu.memref_slice %arg3[%dma_wait3A_112, %dma_wait3A_113] : memref<100000x128xf32, #tpu.memory_space<hbm>> -> memref<100000x128xf32, #tpu.memory_space<hbm>>
    tpu.wait_indirect_dma semaphore(%arg21 : memref<!tpu.dma_semaphore, #tpu.memory_space<semaphore_mem>>) src(%dma_wait3A_114 : memref<100000x128xf32, #tpu.memory_space<hbm>>) dst(%arg8 : memref<64x128xf32, #tpu.memory_space<vmem>>)
    %add3A_115 = arith.constant 128 : i32
    %add3A_116 = arith.addi %mul3A_2, %add3A_115 : i32
    %dma_start3A_117 = arith.constant 0 : i32
    %dma_start3A_118 = tpu.memref_slice %arg4[%add3A_116, %dma_start3A_117] : memref<100000x128xf32, #tpu.memory_space<hbm>> -> memref<64x128xf32, #tpu.memory_space<hbm>>
    %dma_start3A_119 = arith.constant 0 : i32
    %dma_start3A_120 = tpu.memref_slice %arg4[%add3A_116, %dma_start3A_119] : memref<100000x128xf32, #tpu.memory_space<hbm>> -> memref<64x128xf32, #tpu.memory_space<hbm>>
    tpu.enqueue_dma source(%arg8 : memref<64x128xf32, #tpu.memory_space<vmem>>) target(%dma_start3A_120 : memref<64x128xf32, #tpu.memory_space<hbm>>) target_semaphore(%arg33 : memref<!tpu.dma_semaphore, #tpu.memory_space<semaphore_mem>>)
    %dma_wait3A_121 = arith.constant 0 : i32
    %dma_wait3A_122 = arith.constant 0 : i32
    %dma_wait3A_123 = tpu.memref_slice %arg4[%dma_wait3A_121, %dma_wait3A_122] : memref<100000x128xf32, #tpu.memory_space<hbm>> -> memref<64x128xf32, #tpu.memory_space<hbm>>
    %dma_wait3A_124 = arith.constant 0 : i32
    %dma_wait3A_125 = arith.constant 0 : i32
    %dma_wait3A_126 = tpu.memref_slice %arg4[%dma_wait3A_124, %dma_wait3A_125] : memref<100000x128xf32, #tpu.memory_space<hbm>> -> memref<64x128xf32, #tpu.memory_space<hbm>>
    tpu.wait_dma2 semaphore(%arg32 : memref<!tpu.dma_semaphore, #tpu.memory_space<semaphore_mem>>) src(%arg7 : memref<64x128xf32, #tpu.memory_space<vmem>>) dst(%dma_wait3A_126 : memref<64x128xf32, #tpu.memory_space<hbm>>)
    %dma_start3A_127 = arith.constant 832 : i32
    %dma_start3A_128 = tpu.memref_slice %arg5[%dma_start3A_127] : memref<3128xi32, #tpu.memory_space<vmem>> -> memref<64xi32, #tpu.memory_space<vmem>>
    %dma_start3A_129 = arith.constant 0 : i32
    %dma_start3A_130 = arith.constant 0 : i32
    %dma_start3A_131 = tpu.memref_slice %arg3[%dma_start3A_129, %dma_start3A_130] : memref<100000x128xf32, #tpu.memory_space<hbm>> -> memref<100000x128xf32, #tpu.memory_space<hbm>>
    tpu.enqueue_indirect_dma source(%dma_start3A_131 : memref<100000x128xf32, #tpu.memory_space<hbm>>) target(%arg7 : memref<64x128xf32, #tpu.memory_space<vmem>>) offsets(%dma_start3A_128 : memref<64xi32, #tpu.memory_space<vmem>>) semaphore(%arg20 : memref<!tpu.dma_semaphore, #tpu.memory_space<semaphore_mem>>)
    %dma_wait3A_132 = arith.constant 0 : i32
    %dma_wait3A_133 = tpu.memref_slice %arg5[%dma_wait3A_132] : memref<3128xi32, #tpu.memory_space<vmem>> -> memref<64xi32, #tpu.memory_space<vmem>>
    %dma_wait3A_134 = arith.constant 0 : i32
    %dma_wait3A_135 = arith.constant 0 : i32
    %dma_wait3A_136 = tpu.memref_slice %arg3[%dma_wait3A_134, %dma_wait3A_135] : memref<100000x128xf32, #tpu.memory_space<hbm>> -> memref<100000x128xf32, #tpu.memory_space<hbm>>
    tpu.wait_indirect_dma semaphore(%arg22 : memref<!tpu.dma_semaphore, #tpu.memory_space<semaphore_mem>>) src(%dma_wait3A_136 : memref<100000x128xf32, #tpu.memory_space<hbm>>) dst(%arg9 : memref<64x128xf32, #tpu.memory_space<vmem>>)
    %add3A_137 = arith.constant 192 : i32
    %add3A_138 = arith.addi %mul3A_2, %add3A_137 : i32
    %dma_start3A_139 = arith.constant 0 : i32
    %dma_start3A_140 = tpu.memref_slice %arg4[%add3A_138, %dma_start3A_139] : memref<100000x128xf32, #tpu.memory_space<hbm>> -> memref<64x128xf32, #tpu.memory_space<hbm>>
    %dma_start3A_141 = arith.constant 0 : i32
    %dma_start3A_142 = tpu.memref_slice %arg4[%add3A_138, %dma_start3A_141] : memref<100000x128xf32, #tpu.memory_space<hbm>> -> memref<64x128xf32, #tpu.memory_space<hbm>>
    tpu.enqueue_dma source(%arg9 : memref<64x128xf32, #tpu.memory_space<vmem>>) target(%dma_start3A_142 : memref<64x128xf32, #tpu.memory_space<hbm>>) target_semaphore(%arg34 : memref<!tpu.dma_semaphore, #tpu.memory_space<semaphore_mem>>)
    %dma_wait3A_143 = arith.constant 0 : i32
    %dma_wait3A_144 = arith.constant 0 : i32
    %dma_wait3A_145 = tpu.memref_slice %arg4[%dma_wait3A_143, %dma_wait3A_144] : memref<100000x128xf32, #tpu.memory_space<hbm>> -> memref<64x128xf32, #tpu.memory_space<hbm>>
    %dma_wait3A_146 = arith.constant 0 : i32
    %dma_wait3A_147 = arith.constant 0 : i32
    %dma_wait3A_148 = tpu.memref_slice %arg4[%dma_wait3A_146, %dma_wait3A_147] : memref<100000x128xf32, #tpu.memory_space<hbm>> -> memref<64x128xf32, #tpu.memory_space<hbm>>
    tpu.wait_dma2 semaphore(%arg33 : memref<!tpu.dma_semaphore, #tpu.memory_space<semaphore_mem>>) src(%arg8 : memref<64x128xf32, #tpu.memory_space<vmem>>) dst(%dma_wait3A_148 : memref<64x128xf32, #tpu.memory_space<hbm>>)
    %dma_start3A_149 = arith.constant 896 : i32
    %dma_start3A_150 = tpu.memref_slice %arg5[%dma_start3A_149] : memref<3128xi32, #tpu.memory_space<vmem>> -> memref<64xi32, #tpu.memory_space<vmem>>
    %dma_start3A_151 = arith.constant 0 : i32
    %dma_start3A_152 = arith.constant 0 : i32
    %dma_start3A_153 = tpu.memref_slice %arg3[%dma_start3A_151, %dma_start3A_152] : memref<100000x128xf32, #tpu.memory_space<hbm>> -> memref<100000x128xf32, #tpu.memory_space<hbm>>
    tpu.enqueue_indirect_dma source(%dma_start3A_153 : memref<100000x128xf32, #tpu.memory_space<hbm>>) target(%arg8 : memref<64x128xf32, #tpu.memory_space<vmem>>) offsets(%dma_start3A_150 : memref<64xi32, #tpu.memory_space<vmem>>) semaphore(%arg21 : memref<!tpu.dma_semaphore, #tpu.memory_space<semaphore_mem>>)
    %dma_wait3A_154 = arith.constant 0 : i32
    %dma_wait3A_155 = tpu.memref_slice %arg5[%dma_wait3A_154] : memref<3128xi32, #tpu.memory_space<vmem>> -> memref<64xi32, #tpu.memory_space<vmem>>
    %dma_wait3A_156 = arith.constant 0 : i32
    %dma_wait3A_157 = arith.constant 0 : i32
    %dma_wait3A_158 = tpu.memref_slice %arg3[%dma_wait3A_156, %dma_wait3A_157] : memref<100000x128xf32, #tpu.memory_space<hbm>> -> memref<100000x128xf32, #tpu.memory_space<hbm>>
    tpu.wait_indirect_dma semaphore(%arg23 : memref<!tpu.dma_semaphore, #tpu.memory_space<semaphore_mem>>) src(%dma_wait3A_158 : memref<100000x128xf32, #tpu.memory_space<hbm>>) dst(%arg10 : memref<64x128xf32, #tpu.memory_space<vmem>>)
    %add3A_159 = arith.constant 256 : i32
    %add3A_160 = arith.addi %mul3A_2, %add3A_159 : i32
    %dma_start3A_161 = arith.constant 0 : i32
    %dma_start3A_162 = tpu.memref_slice %arg4[%add3A_160, %dma_start3A_161] : memref<100000x128xf32, #tpu.memory_space<hbm>> -> memref<64x128xf32, #tpu.memory_space<hbm>>
    %dma_start3A_163 = arith.constant 0 : i32
    %dma_start3A_164 = tpu.memref_slice %arg4[%add3A_160, %dma_start3A_163] : memref<100000x128xf32, #tpu.memory_space<hbm>> -> memref<64x128xf32, #tpu.memory_space<hbm>>
    tpu.enqueue_dma source(%arg10 : memref<64x128xf32, #tpu.memory_space<vmem>>) target(%dma_start3A_164 : memref<64x128xf32, #tpu.memory_space<hbm>>) target_semaphore(%arg35 : memref<!tpu.dma_semaphore, #tpu.memory_space<semaphore_mem>>)
    %dma_wait3A_165 = arith.constant 0 : i32
    %dma_wait3A_166 = arith.constant 0 : i32
    %dma_wait3A_167 = tpu.memref_slice %arg4[%dma_wait3A_165, %dma_wait3A_166] : memref<100000x128xf32, #tpu.memory_space<hbm>> -> memref<64x128xf32, #tpu.memory_space<hbm>>
    %dma_wait3A_168 = arith.constant 0 : i32
    %dma_wait3A_169 = arith.constant 0 : i32
    %dma_wait3A_170 = tpu.memref_slice %arg4[%dma_wait3A_168, %dma_wait3A_169] : memref<100000x128xf32, #tpu.memory_space<hbm>> -> memref<64x128xf32, #tpu.memory_space<hbm>>
    tpu.wait_dma2 semaphore(%arg34 : memref<!tpu.dma_semaphore, #tpu.memory_space<semaphore_mem>>) src(%arg9 : memref<64x128xf32, #tpu.memory_space<vmem>>) dst(%dma_wait3A_170 : memref<64x128xf32, #tpu.memory_space<hbm>>)
    %dma_start3A_171 = arith.constant 960 : i32
    %dma_start3A_172 = tpu.memref_slice %arg5[%dma_start3A_171] : memref<3128xi32, #tpu.memory_space<vmem>> -> memref<64xi32, #tpu.memory_space<vmem>>
    %dma_start3A_173 = arith.constant 0 : i32
    %dma_start3A_174 = arith.constant 0 : i32
    %dma_start3A_175 = tpu.memref_slice %arg3[%dma_start3A_173, %dma_start3A_174] : memref<100000x128xf32, #tpu.memory_space<hbm>> -> memref<100000x128xf32, #tpu.memory_space<hbm>>
    tpu.enqueue_indirect_dma source(%dma_start3A_175 : memref<100000x128xf32, #tpu.memory_space<hbm>>) target(%arg9 : memref<64x128xf32, #tpu.memory_space<vmem>>) offsets(%dma_start3A_172 : memref<64xi32, #tpu.memory_space<vmem>>) semaphore(%arg22 : memref<!tpu.dma_semaphore, #tpu.memory_space<semaphore_mem>>)
    %dma_wait3A_176 = arith.constant 0 : i32
    %dma_wait3A_177 = tpu.memref_slice %arg5[%dma_wait3A_176] : memref<3128xi32, #tpu.memory_space<vmem>> -> memref<64xi32, #tpu.memory_space<vmem>>
    %dma_wait3A_178 = arith.constant 0 : i32
    %dma_wait3A_179 = arith.constant 0 : i32
    %dma_wait3A_180 = tpu.memref_slice %arg3[%dma_wait3A_178, %dma_wait3A_179] : memref<100000x128xf32, #tpu.memory_space<hbm>> -> memref<100000x128xf32, #tpu.memory_space<hbm>>
    tpu.wait_indirect_dma semaphore(%arg24 : memref<!tpu.dma_semaphore, #tpu.memory_space<semaphore_mem>>) src(%dma_wait3A_180 : memref<100000x128xf32, #tpu.memory_space<hbm>>) dst(%arg11 : memref<64x128xf32, #tpu.memory_space<vmem>>)
    %add3A_181 = arith.constant 320 : i32
    %add3A_182 = arith.addi %mul3A_2, %add3A_181 : i32
    %dma_start3A_183 = arith.constant 0 : i32
    %dma_start3A_184 = tpu.memref_slice %arg4[%add3A_182, %dma_start3A_183] : memref<100000x128xf32, #tpu.memory_space<hbm>> -> memref<64x128xf32, #tpu.memory_space<hbm>>
    %dma_start3A_185 = arith.constant 0 : i32
    %dma_start3A_186 = tpu.memref_slice %arg4[%add3A_182, %dma_start3A_185] : memref<100000x128xf32, #tpu.memory_space<hbm>> -> memref<64x128xf32, #tpu.memory_space<hbm>>
    tpu.enqueue_dma source(%arg11 : memref<64x128xf32, #tpu.memory_space<vmem>>) target(%dma_start3A_186 : memref<64x128xf32, #tpu.memory_space<hbm>>) target_semaphore(%arg36 : memref<!tpu.dma_semaphore, #tpu.memory_space<semaphore_mem>>)
    %dma_wait3A_187 = arith.constant 0 : i32
    %dma_wait3A_188 = arith.constant 0 : i32
    %dma_wait3A_189 = tpu.memref_slice %arg4[%dma_wait3A_187, %dma_wait3A_188] : memref<100000x128xf32, #tpu.memory_space<hbm>> -> memref<64x128xf32, #tpu.memory_space<hbm>>
    %dma_wait3A_190 = arith.constant 0 : i32
    %dma_wait3A_191 = arith.constant 0 : i32
    %dma_wait3A_192 = tpu.memref_slice %arg4[%dma_wait3A_190, %dma_wait3A_191] : memref<100000x128xf32, #tpu.memory_space<hbm>> -> memref<64x128xf32, #tpu.memory_space<hbm>>
    tpu.wait_dma2 semaphore(%arg35 : memref<!tpu.dma_semaphore, #tpu.memory_space<semaphore_mem>>) src(%arg10 : memref<64x128xf32, #tpu.memory_space<vmem>>) dst(%dma_wait3A_192 : memref<64x128xf32, #tpu.memory_space<hbm>>)
    %dma_start3A_193 = arith.constant 1024 : i32
    %dma_start3A_194 = tpu.memref_slice %arg5[%dma_start3A_193] : memref<3128xi32, #tpu.memory_space<vmem>> -> memref<64xi32, #tpu.memory_space<vmem>>
    %dma_start3A_195 = arith.constant 0 : i32
    %dma_start3A_196 = arith.constant 0 : i32
    %dma_start3A_197 = tpu.memref_slice %arg3[%dma_start3A_195, %dma_start3A_196] : memref<100000x128xf32, #tpu.memory_space<hbm>> -> memref<100000x128xf32, #tpu.memory_space<hbm>>
    tpu.enqueue_indirect_dma source(%dma_start3A_197 : memref<100000x128xf32, #tpu.memory_space<hbm>>) target(%arg10 : memref<64x128xf32, #tpu.memory_space<vmem>>) offsets(%dma_start3A_194 : memref<64xi32, #tpu.memory_space<vmem>>) semaphore(%arg23 : memref<!tpu.dma_semaphore, #tpu.memory_space<semaphore_mem>>)
    %dma_wait3A_198 = arith.constant 0 : i32
    %dma_wait3A_199 = tpu.memref_slice %arg5[%dma_wait3A_198] : memref<3128xi32, #tpu.memory_space<vmem>> -> memref<64xi32, #tpu.memory_space<vmem>>
    %dma_wait3A_200 = arith.constant 0 : i32
    %dma_wait3A_201 = arith.constant 0 : i32
    %dma_wait3A_202 = tpu.memref_slice %arg3[%dma_wait3A_200, %dma_wait3A_201] : memref<100000x128xf32, #tpu.memory_space<hbm>> -> memref<100000x128xf32, #tpu.memory_space<hbm>>
    tpu.wait_indirect_dma semaphore(%arg25 : memref<!tpu.dma_semaphore, #tpu.memory_space<semaphore_mem>>) src(%dma_wait3A_202 : memref<100000x128xf32, #tpu.memory_space<hbm>>) dst(%arg12 : memref<64x128xf32, #tpu.memory_space<vmem>>)
    %add3A_203 = arith.constant 384 : i32
    %add3A_204 = arith.addi %mul3A_2, %add3A_203 : i32
    %dma_start3A_205 = arith.constant 0 : i32
    %dma_start3A_206 = tpu.memref_slice %arg4[%add3A_204, %dma_start3A_205] : memref<100000x128xf32, #tpu.memory_space<hbm>> -> memref<64x128xf32, #tpu.memory_space<hbm>>
    %dma_start3A_207 = arith.constant 0 : i32
    %dma_start3A_208 = tpu.memref_slice %arg4[%add3A_204, %dma_start3A_207] : memref<100000x128xf32, #tpu.memory_space<hbm>> -> memref<64x128xf32, #tpu.memory_space<hbm>>
    tpu.enqueue_dma source(%arg12 : memref<64x128xf32, #tpu.memory_space<vmem>>) target(%dma_start3A_208 : memref<64x128xf32, #tpu.memory_space<hbm>>) target_semaphore(%arg37 : memref<!tpu.dma_semaphore, #tpu.memory_space<semaphore_mem>>)
    %dma_wait3A_209 = arith.constant 0 : i32
    %dma_wait3A_210 = arith.constant 0 : i32
    %dma_wait3A_211 = tpu.memref_slice %arg4[%dma_wait3A_209, %dma_wait3A_210] : memref<100000x128xf32, #tpu.memory_space<hbm>> -> memref<64x128xf32, #tpu.memory_space<hbm>>
    %dma_wait3A_212 = arith.constant 0 : i32
    %dma_wait3A_213 = arith.constant 0 : i32
    %dma_wait3A_214 = tpu.memref_slice %arg4[%dma_wait3A_212, %dma_wait3A_213] : memref<100000x128xf32, #tpu.memory_space<hbm>> -> memref<64x128xf32, #tpu.memory_space<hbm>>
    tpu.wait_dma2 semaphore(%arg36 : memref<!tpu.dma_semaphore, #tpu.memory_space<semaphore_mem>>) src(%arg11 : memref<64x128xf32, #tpu.memory_space<vmem>>) dst(%dma_wait3A_214 : memref<64x128xf32, #tpu.memory_space<hbm>>)
    %dma_start3A_215 = arith.constant 1088 : i32
    %dma_start3A_216 = tpu.memref_slice %arg5[%dma_start3A_215] : memref<3128xi32, #tpu.memory_space<vmem>> -> memref<64xi32, #tpu.memory_space<vmem>>
    %dma_start3A_217 = arith.constant 0 : i32
    %dma_start3A_218 = arith.constant 0 : i32
    %dma_start3A_219 = tpu.memref_slice %arg3[%dma_start3A_217, %dma_start3A_218] : memref<100000x128xf32, #tpu.memory_space<hbm>> -> memref<100000x128xf32, #tpu.memory_space<hbm>>
    tpu.enqueue_indirect_dma source(%dma_start3A_219 : memref<100000x128xf32, #tpu.memory_space<hbm>>) target(%arg11 : memref<64x128xf32, #tpu.memory_space<vmem>>) offsets(%dma_start3A_216 : memref<64xi32, #tpu.memory_space<vmem>>) semaphore(%arg24 : memref<!tpu.dma_semaphore, #tpu.memory_space<semaphore_mem>>)
    %dma_wait3A_220 = arith.constant 0 : i32
    %dma_wait3A_221 = tpu.memref_slice %arg5[%dma_wait3A_220] : memref<3128xi32, #tpu.memory_space<vmem>> -> memref<64xi32, #tpu.memory_space<vmem>>
    %dma_wait3A_222 = arith.constant 0 : i32
    %dma_wait3A_223 = arith.constant 0 : i32
    %dma_wait3A_224 = tpu.memref_slice %arg3[%dma_wait3A_222, %dma_wait3A_223] : memref<100000x128xf32, #tpu.memory_space<hbm>> -> memref<100000x128xf32, #tpu.memory_space<hbm>>
    tpu.wait_indirect_dma semaphore(%arg26 : memref<!tpu.dma_semaphore, #tpu.memory_space<semaphore_mem>>) src(%dma_wait3A_224 : memref<100000x128xf32, #tpu.memory_space<hbm>>) dst(%arg13 : memref<64x128xf32, #tpu.memory_space<vmem>>)
    %add3A_225 = arith.constant 448 : i32
    %add3A_226 = arith.addi %mul3A_2, %add3A_225 : i32
    %dma_start3A_227 = arith.constant 0 : i32
    %dma_start3A_228 = tpu.memref_slice %arg4[%add3A_226, %dma_start3A_227] : memref<100000x128xf32, #tpu.memory_space<hbm>> -> memref<64x128xf32, #tpu.memory_space<hbm>>
    %dma_start3A_229 = arith.constant 0 : i32
    %dma_start3A_230 = tpu.memref_slice %arg4[%add3A_226, %dma_start3A_229] : memref<100000x128xf32, #tpu.memory_space<hbm>> -> memref<64x128xf32, #tpu.memory_space<hbm>>
    tpu.enqueue_dma source(%arg13 : memref<64x128xf32, #tpu.memory_space<vmem>>) target(%dma_start3A_230 : memref<64x128xf32, #tpu.memory_space<hbm>>) target_semaphore(%arg38 : memref<!tpu.dma_semaphore, #tpu.memory_space<semaphore_mem>>)
    %dma_wait3A_231 = arith.constant 0 : i32
    %dma_wait3A_232 = arith.constant 0 : i32
    %dma_wait3A_233 = tpu.memref_slice %arg4[%dma_wait3A_231, %dma_wait3A_232] : memref<100000x128xf32, #tpu.memory_space<hbm>> -> memref<64x128xf32, #tpu.memory_space<hbm>>
    %dma_wait3A_234 = arith.constant 0 : i32
    %dma_wait3A_235 = arith.constant 0 : i32
    %dma_wait3A_236 = tpu.memref_slice %arg4[%dma_wait3A_234, %dma_wait3A_235] : memref<100000x128xf32, #tpu.memory_space<hbm>> -> memref<64x128xf32, #tpu.memory_space<hbm>>
    tpu.wait_dma2 semaphore(%arg37 : memref<!tpu.dma_semaphore, #tpu.memory_space<semaphore_mem>>) src(%arg12 : memref<64x128xf32, #tpu.memory_space<vmem>>) dst(%dma_wait3A_236 : memref<64x128xf32, #tpu.memory_space<hbm>>)
    %dma_start3A_237 = arith.constant 1152 : i32
    %dma_start3A_238 = tpu.memref_slice %arg5[%dma_start3A_237] : memref<3128xi32, #tpu.memory_space<vmem>> -> memref<64xi32, #tpu.memory_space<vmem>>
    %dma_start3A_239 = arith.constant 0 : i32
    %dma_start3A_240 = arith.constant 0 : i32
    %dma_start3A_241 = tpu.memref_slice %arg3[%dma_start3A_239, %dma_start3A_240] : memref<100000x128xf32, #tpu.memory_space<hbm>> -> memref<100000x128xf32, #tpu.memory_space<hbm>>
    tpu.enqueue_indirect_dma source(%dma_start3A_241 : memref<100000x128xf32, #tpu.memory_space<hbm>>) target(%arg12 : memref<64x128xf32, #tpu.memory_space<vmem>>) offsets(%dma_start3A_238 : memref<64xi32, #tpu.memory_space<vmem>>) semaphore(%arg25 : memref<!tpu.dma_semaphore, #tpu.memory_space<semaphore_mem>>)
    %dma_wait3A_242 = arith.constant 0 : i32
    %dma_wait3A_243 = tpu.memref_slice %arg5[%dma_wait3A_242] : memref<3128xi32, #tpu.memory_space<vmem>> -> memref<64xi32, #tpu.memory_space<vmem>>
    %dma_wait3A_244 = arith.constant 0 : i32
    %dma_wait3A_245 = arith.constant 0 : i32
    %dma_wait3A_246 = tpu.memref_slice %arg3[%dma_wait3A_244, %dma_wait3A_245] : memref<100000x128xf32, #tpu.memory_space<hbm>> -> memref<100000x128xf32, #tpu.memory_space<hbm>>
    tpu.wait_indirect_dma semaphore(%arg27 : memref<!tpu.dma_semaphore, #tpu.memory_space<semaphore_mem>>) src(%dma_wait3A_246 : memref<100000x128xf32, #tpu.memory_space<hbm>>) dst(%arg14 : memref<64x128xf32, #tpu.memory_space<vmem>>)
    %add3A_247 = arith.constant 512 : i32
    %add3A_248 = arith.addi %mul3A_2, %add3A_247 : i32
    %dma_start3A_249 = arith.constant 0 : i32
    %dma_start3A_250 = tpu.memref_slice %arg4[%add3A_248, %dma_start3A_249] : memref<100000x128xf32, #tpu.memory_space<hbm>> -> memref<64x128xf32, #tpu.memory_space<hbm>>
    %dma_start3A_251 = arith.constant 0 : i32
    %dma_start3A_252 = tpu.memref_slice %arg4[%add3A_248, %dma_start3A_251] : memref<100000x128xf32, #tpu.memory_space<hbm>> -> memref<64x128xf32, #tpu.memory_space<hbm>>
    tpu.enqueue_dma source(%arg14 : memref<64x128xf32, #tpu.memory_space<vmem>>) target(%dma_start3A_252 : memref<64x128xf32, #tpu.memory_space<hbm>>) target_semaphore(%arg39 : memref<!tpu.dma_semaphore, #tpu.memory_space<semaphore_mem>>)
    %dma_wait3A_253 = arith.constant 0 : i32
    %dma_wait3A_254 = arith.constant 0 : i32
    %dma_wait3A_255 = tpu.memref_slice %arg4[%dma_wait3A_253, %dma_wait3A_254] : memref<100000x128xf32, #tpu.memory_space<hbm>> -> memref<64x128xf32, #tpu.memory_space<hbm>>
    %dma_wait3A_256 = arith.constant 0 : i32
    %dma_wait3A_257 = arith.constant 0 : i32
    %dma_wait3A_258 = tpu.memref_slice %arg4[%dma_wait3A_256, %dma_wait3A_257] : memref<100000x128xf32, #tpu.memory_space<hbm>> -> memref<64x128xf32, #tpu.memory_space<hbm>>
    tpu.wait_dma2 semaphore(%arg38 : memref<!tpu.dma_semaphore, #tpu.memory_space<semaphore_mem>>) src(%arg13 : memref<64x128xf32, #tpu.memory_space<vmem>>) dst(%dma_wait3A_258 : memref<64x128xf32, #tpu.memory_space<hbm>>)
    %dma_start3A_259 = arith.constant 1216 : i32
    %dma_start3A_260 = tpu.memref_slice %arg5[%dma_start3A_259] : memref<3128xi32, #tpu.memory_space<vmem>> -> memref<64xi32, #tpu.memory_space<vmem>>
    %dma_start3A_261 = arith.constant 0 : i32
    %dma_start3A_262 = arith.constant 0 : i32
    %dma_start3A_263 = tpu.memref_slice %arg3[%dma_start3A_261, %dma_start3A_262] : memref<100000x128xf32, #tpu.memory_space<hbm>> -> memref<100000x128xf32, #tpu.memory_space<hbm>>
    tpu.enqueue_indirect_dma source(%dma_start3A_263 : memref<100000x128xf32, #tpu.memory_space<hbm>>) target(%arg13 : memref<64x128xf32, #tpu.memory_space<vmem>>) offsets(%dma_start3A_260 : memref<64xi32, #tpu.memory_space<vmem>>) semaphore(%arg26 : memref<!tpu.dma_semaphore, #tpu.memory_space<semaphore_mem>>)
    %dma_wait3A_264 = arith.constant 0 : i32
    %dma_wait3A_265 = tpu.memref_slice %arg5[%dma_wait3A_264] : memref<3128xi32, #tpu.memory_space<vmem>> -> memref<64xi32, #tpu.memory_space<vmem>>
    %dma_wait3A_266 = arith.constant 0 : i32
    %dma_wait3A_267 = arith.constant 0 : i32
    %dma_wait3A_268 = tpu.memref_slice %arg3[%dma_wait3A_266, %dma_wait3A_267] : memref<100000x128xf32, #tpu.memory_space<hbm>> -> memref<100000x128xf32, #tpu.memory_space<hbm>>
    tpu.wait_indirect_dma semaphore(%arg28 : memref<!tpu.dma_semaphore, #tpu.memory_space<semaphore_mem>>) src(%dma_wait3A_268 : memref<100000x128xf32, #tpu.memory_space<hbm>>) dst(%arg15 : memref<64x128xf32, #tpu.memory_space<vmem>>)
    %add3A_269 = arith.constant 576 : i32
    %add3A_270 = arith.addi %mul3A_2, %add3A_269 : i32
    %dma_start3A_271 = arith.constant 0 : i32
    %dma_start3A_272 = tpu.memref_slice %arg4[%add3A_270, %dma_start3A_271] : memref<100000x128xf32, #tpu.memory_space<hbm>> -> memref<64x128xf32, #tpu.memory_space<hbm>>
    %dma_start3A_273 = arith.constant 0 : i32
    %dma_start3A_274 = tpu.memref_slice %arg4[%add3A_270, %dma_start3A_273] : memref<100000x128xf32, #tpu.memory_space<hbm>> -> memref<64x128xf32, #tpu.memory_space<hbm>>
    tpu.enqueue_dma source(%arg15 : memref<64x128xf32, #tpu.memory_space<vmem>>) target(%dma_start3A_274 : memref<64x128xf32, #tpu.memory_space<hbm>>) target_semaphore(%arg40 : memref<!tpu.dma_semaphore, #tpu.memory_space<semaphore_mem>>)
    %dma_wait3A_275 = arith.constant 0 : i32
    %dma_wait3A_276 = arith.constant 0 : i32
    %dma_wait3A_277 = tpu.memref_slice %arg4[%dma_wait3A_275, %dma_wait3A_276] : memref<100000x128xf32, #tpu.memory_space<hbm>> -> memref<64x128xf32, #tpu.memory_space<hbm>>
    %dma_wait3A_278 = arith.constant 0 : i32
    %dma_wait3A_279 = arith.constant 0 : i32
    %dma_wait3A_280 = tpu.memref_slice %arg4[%dma_wait3A_278, %dma_wait3A_279] : memref<100000x128xf32, #tpu.memory_space<hbm>> -> memref<64x128xf32, #tpu.memory_space<hbm>>
    tpu.wait_dma2 semaphore(%arg39 : memref<!tpu.dma_semaphore, #tpu.memory_space<semaphore_mem>>) src(%arg14 : memref<64x128xf32, #tpu.memory_space<vmem>>) dst(%dma_wait3A_280 : memref<64x128xf32, #tpu.memory_space<hbm>>)
    %dma_start3A_281 = arith.constant 1280 : i32
    %dma_start3A_282 = tpu.memref_slice %arg5[%dma_start3A_281] : memref<3128xi32, #tpu.memory_space<vmem>> -> memref<64xi32, #tpu.memory_space<vmem>>
    %dma_start3A_283 = arith.constant 0 : i32
    %dma_start3A_284 = arith.constant 0 : i32
    %dma_start3A_285 = tpu.memref_slice %arg3[%dma_start3A_283, %dma_start3A_284] : memref<100000x128xf32, #tpu.memory_space<hbm>> -> memref<100000x128xf32, #tpu.memory_space<hbm>>
    tpu.enqueue_indirect_dma source(%dma_start3A_285 : memref<100000x128xf32, #tpu.memory_space<hbm>>) target(%arg14 : memref<64x128xf32, #tpu.memory_space<vmem>>) offsets(%dma_start3A_282 : memref<64xi32, #tpu.memory_space<vmem>>) semaphore(%arg27 : memref<!tpu.dma_semaphore, #tpu.memory_space<semaphore_mem>>)
    %dma_wait3A_286 = arith.constant 0 : i32
    %dma_wait3A_287 = tpu.memref_slice %arg5[%dma_wait3A_286] : memref<3128xi32, #tpu.memory_space<vmem>> -> memref<64xi32, #tpu.memory_space<vmem>>
    %dma_wait3A_288 = arith.constant 0 : i32
    %dma_wait3A_289 = arith.constant 0 : i32
    %dma_wait3A_290 = tpu.memref_slice %arg3[%dma_wait3A_288, %dma_wait3A_289] : memref<100000x128xf32, #tpu.memory_space<hbm>> -> memref<100000x128xf32, #tpu.memory_space<hbm>>
    tpu.wait_indirect_dma semaphore(%arg29 : memref<!tpu.dma_semaphore, #tpu.memory_space<semaphore_mem>>) src(%dma_wait3A_290 : memref<100000x128xf32, #tpu.memory_space<hbm>>) dst(%arg16 : memref<64x128xf32, #tpu.memory_space<vmem>>)
    %add3A_291 = arith.constant 640 : i32
    %add3A_292 = arith.addi %mul3A_2, %add3A_291 : i32
    %dma_start3A_293 = arith.constant 0 : i32
    %dma_start3A_294 = tpu.memref_slice %arg4[%add3A_292, %dma_start3A_293] : memref<100000x128xf32, #tpu.memory_space<hbm>> -> memref<64x128xf32, #tpu.memory_space<hbm>>
    %dma_start3A_295 = arith.constant 0 : i32
    %dma_start3A_296 = tpu.memref_slice %arg4[%add3A_292, %dma_start3A_295] : memref<100000x128xf32, #tpu.memory_space<hbm>> -> memref<64x128xf32, #tpu.memory_space<hbm>>
    tpu.enqueue_dma source(%arg16 : memref<64x128xf32, #tpu.memory_space<vmem>>) target(%dma_start3A_296 : memref<64x128xf32, #tpu.memory_space<hbm>>) target_semaphore(%arg41 : memref<!tpu.dma_semaphore, #tpu.memory_space<semaphore_mem>>)
    %dma_wait3A_297 = arith.constant 0 : i32
    %dma_wait3A_298 = arith.constant 0 : i32
    %dma_wait3A_299 = tpu.memref_slice %arg4[%dma_wait3A_297, %dma_wait3A_298] : memref<100000x128xf32, #tpu.memory_space<hbm>> -> memref<64x128xf32, #tpu.memory_space<hbm>>
    %dma_wait3A_300 = arith.constant 0 : i32
    %dma_wait3A_301 = arith.constant 0 : i32
    %dma_wait3A_302 = tpu.memref_slice %arg4[%dma_wait3A_300, %dma_wait3A_301] : memref<100000x128xf32, #tpu.memory_space<hbm>> -> memref<64x128xf32, #tpu.memory_space<hbm>>
    tpu.wait_dma2 semaphore(%arg40 : memref<!tpu.dma_semaphore, #tpu.memory_space<semaphore_mem>>) src(%arg15 : memref<64x128xf32, #tpu.memory_space<vmem>>) dst(%dma_wait3A_302 : memref<64x128xf32, #tpu.memory_space<hbm>>)
    %dma_start3A_303 = arith.constant 1344 : i32
    %dma_start3A_304 = tpu.memref_slice %arg5[%dma_start3A_303] : memref<3128xi32, #tpu.memory_space<vmem>> -> memref<64xi32, #tpu.memory_space<vmem>>
    %dma_start3A_305 = arith.constant 0 : i32
    %dma_start3A_306 = arith.constant 0 : i32
    %dma_start3A_307 = tpu.memref_slice %arg3[%dma_start3A_305, %dma_start3A_306] : memref<100000x128xf32, #tpu.memory_space<hbm>> -> memref<100000x128xf32, #tpu.memory_space<hbm>>
    tpu.enqueue_indirect_dma source(%dma_start3A_307 : memref<100000x128xf32, #tpu.memory_space<hbm>>) target(%arg15 : memref<64x128xf32, #tpu.memory_space<vmem>>) offsets(%dma_start3A_304 : memref<64xi32, #tpu.memory_space<vmem>>) semaphore(%arg28 : memref<!tpu.dma_semaphore, #tpu.memory_space<semaphore_mem>>)
    %dma_wait3A_308 = arith.constant 0 : i32
    %dma_wait3A_309 = tpu.memref_slice %arg5[%dma_wait3A_308] : memref<3128xi32, #tpu.memory_space<vmem>> -> memref<64xi32, #tpu.memory_space<vmem>>
    %dma_wait3A_310 = arith.constant 0 : i32
    %dma_wait3A_311 = arith.constant 0 : i32
    %dma_wait3A_312 = tpu.memref_slice %arg3[%dma_wait3A_310, %dma_wait3A_311] : memref<100000x128xf32, #tpu.memory_space<hbm>> -> memref<100000x128xf32, #tpu.memory_space<hbm>>
    tpu.wait_indirect_dma semaphore(%arg30 : memref<!tpu.dma_semaphore, #tpu.memory_space<semaphore_mem>>) src(%dma_wait3A_312 : memref<100000x128xf32, #tpu.memory_space<hbm>>) dst(%arg17 : memref<64x128xf32, #tpu.memory_space<vmem>>)
    %add3A_313 = arith.constant 704 : i32
    %add3A_314 = arith.addi %mul3A_2, %add3A_313 : i32
    %dma_start3A_315 = arith.constant 0 : i32
    %dma_start3A_316 = tpu.memref_slice %arg4[%add3A_314, %dma_start3A_315] : memref<100000x128xf32, #tpu.memory_space<hbm>> -> memref<64x128xf32, #tpu.memory_space<hbm>>
    %dma_start3A_317 = arith.constant 0 : i32
    %dma_start3A_318 = tpu.memref_slice %arg4[%add3A_314, %dma_start3A_317] : memref<100000x128xf32, #tpu.memory_space<hbm>> -> memref<64x128xf32, #tpu.memory_space<hbm>>
    tpu.enqueue_dma source(%arg17 : memref<64x128xf32, #tpu.memory_space<vmem>>) target(%dma_start3A_318 : memref<64x128xf32, #tpu.memory_space<hbm>>) target_semaphore(%arg42 : memref<!tpu.dma_semaphore, #tpu.memory_space<semaphore_mem>>)
    %dma_wait3A_319 = arith.constant 0 : i32
    %dma_wait3A_320 = arith.constant 0 : i32
    %dma_wait3A_321 = tpu.memref_slice %arg4[%dma_wait3A_319, %dma_wait3A_320] : memref<100000x128xf32, #tpu.memory_space<hbm>> -> memref<64x128xf32, #tpu.memory_space<hbm>>
    %dma_wait3A_322 = arith.constant 0 : i32
    %dma_wait3A_323 = arith.constant 0 : i32
    %dma_wait3A_324 = tpu.memref_slice %arg4[%dma_wait3A_322, %dma_wait3A_323] : memref<100000x128xf32, #tpu.memory_space<hbm>> -> memref<64x128xf32, #tpu.memory_space<hbm>>
    tpu.wait_dma2 semaphore(%arg41 : memref<!tpu.dma_semaphore, #tpu.memory_space<semaphore_mem>>) src(%arg16 : memref<64x128xf32, #tpu.memory_space<vmem>>) dst(%dma_wait3A_324 : memref<64x128xf32, #tpu.memory_space<hbm>>)
    %dma_start3A_325 = arith.constant 1408 : i32
    %dma_start3A_326 = tpu.memref_slice %arg5[%dma_start3A_325] : memref<3128xi32, #tpu.memory_space<vmem>> -> memref<64xi32, #tpu.memory_space<vmem>>
    %dma_start3A_327 = arith.constant 0 : i32
    %dma_start3A_328 = arith.constant 0 : i32
    %dma_start3A_329 = tpu.memref_slice %arg3[%dma_start3A_327, %dma_start3A_328] : memref<100000x128xf32, #tpu.memory_space<hbm>> -> memref<100000x128xf32, #tpu.memory_space<hbm>>
    tpu.enqueue_indirect_dma source(%dma_start3A_329 : memref<100000x128xf32, #tpu.memory_space<hbm>>) target(%arg16 : memref<64x128xf32, #tpu.memory_space<vmem>>) offsets(%dma_start3A_326 : memref<64xi32, #tpu.memory_space<vmem>>) semaphore(%arg29 : memref<!tpu.dma_semaphore, #tpu.memory_space<semaphore_mem>>)
    %scan3A = arith.constant 0 : i32
    %scan3A_330 = arith.constant 2 : i32
    %scan3A_331 = arith.addi %scan3A, %scan3A_330 : i32
    %scan3A_332 = arith.constant 1 : i32
    scf.for %scan3A_547 = %scan3A to %scan3A_331 step %scan3A_332  : i32 {
      %mul3A_548 = arith.constant 1 : i32
      %mul3A_549 = arith.muli %scan3A_547, %mul3A_548 : i32
      %add3A_550 = arith.constant 1 : i32
      %add3A_551 = arith.addi %add3A_550, %mul3A_549 : i32
      %mul3A_552 = arith.constant 12 : i32
      %mul3A_553 = arith.muli %add3A_551, %mul3A_552 : i32
      %dma_wait3A_554 = arith.constant 0 : i32
      %dma_wait3A_555 = tpu.memref_slice %arg5[%dma_wait3A_554] : memref<3128xi32, #tpu.memory_space<vmem>> -> memref<64xi32, #tpu.memory_space<vmem>>
      %dma_wait3A_556 = arith.constant 0 : i32
      %dma_wait3A_557 = arith.constant 0 : i32
      %dma_wait3A_558 = tpu.memref_slice %arg3[%dma_wait3A_556, %dma_wait3A_557] : memref<100000x128xf32, #tpu.memory_space<hbm>> -> memref<100000x128xf32, #tpu.memory_space<hbm>>
      tpu.wait_indirect_dma semaphore(%arg19 : memref<!tpu.dma_semaphore, #tpu.memory_space<semaphore_mem>>) src(%dma_wait3A_558 : memref<100000x128xf32, #tpu.memory_space<hbm>>) dst(%arg6 : memref<64x128xf32, #tpu.memory_space<vmem>>)
      %add3A_559 = arith.constant 0 : i32
      %add3A_560 = arith.addi %mul3A_553, %add3A_559 : i32
      %mul3A_561 = arith.constant 64 : i32
      %mul3A_562 = arith.muli %add3A_560, %mul3A_561 : i32
      %add3A_563 = arith.addi %mul3A_2, %mul3A_562 : i32
      %dma_start3A_564 = arith.constant 0 : i32
      %dma_start3A_565 = tpu.memref_slice %arg4[%add3A_563, %dma_start3A_564] : memref<100000x128xf32, #tpu.memory_space<hbm>> -> memref<64x128xf32, #tpu.memory_space<hbm>>
      %dma_start3A_566 = arith.constant 0 : i32
      %dma_start3A_567 = tpu.memref_slice %arg4[%add3A_563, %dma_start3A_566] : memref<100000x128xf32, #tpu.memory_space<hbm>> -> memref<64x128xf32, #tpu.memory_space<hbm>>
      tpu.enqueue_dma source(%arg6 : memref<64x128xf32, #tpu.memory_space<vmem>>) target(%dma_start3A_567 : memref<64x128xf32, #tpu.memory_space<hbm>>) target_semaphore(%arg31 : memref<!tpu.dma_semaphore, #tpu.memory_space<semaphore_mem>>)
      %dma_wait3A_568 = arith.constant 0 : i32
      %dma_wait3A_569 = arith.constant 0 : i32
      %dma_wait3A_570 = tpu.memref_slice %arg4[%dma_wait3A_568, %dma_wait3A_569] : memref<100000x128xf32, #tpu.memory_space<hbm>> -> memref<64x128xf32, #tpu.memory_space<hbm>>
      %dma_wait3A_571 = arith.constant 0 : i32
      %dma_wait3A_572 = arith.constant 0 : i32
      %dma_wait3A_573 = tpu.memref_slice %arg4[%dma_wait3A_571, %dma_wait3A_572] : memref<100000x128xf32, #tpu.memory_space<hbm>> -> memref<64x128xf32, #tpu.memory_space<hbm>>
      tpu.wait_dma2 semaphore(%arg42 : memref<!tpu.dma_semaphore, #tpu.memory_space<semaphore_mem>>) src(%arg17 : memref<64x128xf32, #tpu.memory_space<vmem>>) dst(%dma_wait3A_573 : memref<64x128xf32, #tpu.memory_space<hbm>>)
      %add3A_574 = arith.constant 0 : i32
      %add3A_575 = arith.addi %mul3A_553, %add3A_574 : i32
      %add3A_576 = arith.constant 12 : i32
      %add3A_577 = arith.addi %add3A_575, %add3A_576 : i32
      %sub3A = arith.constant 1 : i32
      %sub3A_578 = arith.subi %add3A_577, %sub3A : i32
      %mul3A_579 = arith.constant 64 : i32
      %mul3A_580 = arith.muli %sub3A_578, %mul3A_579 : i32
      %dma_start3A_581 = tpu.memref_slice %arg5[%mul3A_580] : memref<3128xi32, #tpu.memory_space<vmem>> -> memref<64xi32, #tpu.memory_space<vmem>>
      %dma_start3A_582 = arith.constant 0 : i32
      %dma_start3A_583 = arith.constant 0 : i32
      %dma_start3A_584 = tpu.memref_slice %arg3[%dma_start3A_582, %dma_start3A_583] : memref<100000x128xf32, #tpu.memory_space<hbm>> -> memref<100000x128xf32, #tpu.memory_space<hbm>>
      tpu.enqueue_indirect_dma source(%dma_start3A_584 : memref<100000x128xf32, #tpu.memory_space<hbm>>) target(%arg17 : memref<64x128xf32, #tpu.memory_space<vmem>>) offsets(%dma_start3A_581 : memref<64xi32, #tpu.memory_space<vmem>>) semaphore(%arg30 : memref<!tpu.dma_semaphore, #tpu.memory_space<semaphore_mem>>)
      %dma_wait3A_585 = arith.constant 0 : i32
      %dma_wait3A_586 = tpu.memref_slice %arg5[%dma_wait3A_585] : memref<3128xi32, #tpu.memory_space<vmem>> -> memref<64xi32, #tpu.memory_space<vmem>>
      %dma_wait3A_587 = arith.constant 0 : i32
      %dma_wait3A_588 = arith.constant 0 : i32
      %dma_wait3A_589 = tpu.memref_slice %arg3[%dma_wait3A_587, %dma_wait3A_588] : memref<100000x128xf32, #tpu.memory_space<hbm>> -> memref<100000x128xf32, #tpu.memory_space<hbm>>
      tpu.wait_indirect_dma semaphore(%arg20 : memref<!tpu.dma_semaphore, #tpu.memory_space<semaphore_mem>>) src(%dma_wait3A_589 : memref<100000x128xf32, #tpu.memory_space<hbm>>) dst(%arg7 : memref<64x128xf32, #tpu.memory_space<vmem>>)
      %add3A_590 = arith.constant 1 : i32
      %add3A_591 = arith.addi %mul3A_553, %add3A_590 : i32
      %mul3A_592 = arith.constant 64 : i32
      %mul3A_593 = arith.muli %add3A_591, %mul3A_592 : i32
      %add3A_594 = arith.addi %mul3A_2, %mul3A_593 : i32
      %dma_start3A_595 = arith.constant 0 : i32
      %dma_start3A_596 = tpu.memref_slice %arg4[%add3A_594, %dma_start3A_595] : memref<100000x128xf32, #tpu.memory_space<hbm>> -> memref<64x128xf32, #tpu.memory_space<hbm>>
      %dma_start3A_597 = arith.constant 0 : i32
      %dma_start3A_598 = tpu.memref_slice %arg4[%add3A_594, %dma_start3A_597] : memref<100000x128xf32, #tpu.memory_space<hbm>> -> memref<64x128xf32, #tpu.memory_space<hbm>>
      tpu.enqueue_dma source(%arg7 : memref<64x128xf32, #tpu.memory_space<vmem>>) target(%dma_start3A_598 : memref<64x128xf32, #tpu.memory_space<hbm>>) target_semaphore(%arg32 : memref<!tpu.dma_semaphore, #tpu.memory_space<semaphore_mem>>)
      %dma_wait3A_599 = arith.constant 0 : i32
      %dma_wait3A_600 = arith.constant 0 : i32
      %dma_wait3A_601 = tpu.memref_slice %arg4[%dma_wait3A_599, %dma_wait3A_600] : memref<100000x128xf32, #tpu.memory_space<hbm>> -> memref<64x128xf32, #tpu.memory_space<hbm>>
      %dma_wait3A_602 = arith.constant 0 : i32
      %dma_wait3A_603 = arith.constant 0 : i32
      %dma_wait3A_604 = tpu.memref_slice %arg4[%dma_wait3A_602, %dma_wait3A_603] : memref<100000x128xf32, #tpu.memory_space<hbm>> -> memref<64x128xf32, #tpu.memory_space<hbm>>
      tpu.wait_dma2 semaphore(%arg31 : memref<!tpu.dma_semaphore, #tpu.memory_space<semaphore_mem>>) src(%arg6 : memref<64x128xf32, #tpu.memory_space<vmem>>) dst(%dma_wait3A_604 : memref<64x128xf32, #tpu.memory_space<hbm>>)
      %add3A_605 = arith.constant 1 : i32
      %add3A_606 = arith.addi %mul3A_553, %add3A_605 : i32
      %add3A_607 = arith.constant 12 : i32
      %add3A_608 = arith.addi %add3A_606, %add3A_607 : i32
      %sub3A_609 = arith.constant 1 : i32
      %sub3A_610 = arith.subi %add3A_608, %sub3A_609 : i32
      %mul3A_611 = arith.constant 64 : i32
      %mul3A_612 = arith.muli %sub3A_610, %mul3A_611 : i32
      %dma_start3A_613 = tpu.memref_slice %arg5[%mul3A_612] : memref<3128xi32, #tpu.memory_space<vmem>> -> memref<64xi32, #tpu.memory_space<vmem>>
      %dma_start3A_614 = arith.constant 0 : i32
      %dma_start3A_615 = arith.constant 0 : i32
      %dma_start3A_616 = tpu.memref_slice %arg3[%dma_start3A_614, %dma_start3A_615] : memref<100000x128xf32, #tpu.memory_space<hbm>> -> memref<100000x128xf32, #tpu.memory_space<hbm>>
      tpu.enqueue_indirect_dma source(%dma_start3A_616 : memref<100000x128xf32, #tpu.memory_space<hbm>>) target(%arg6 : memref<64x128xf32, #tpu.memory_space<vmem>>) offsets(%dma_start3A_613 : memref<64xi32, #tpu.memory_space<vmem>>) semaphore(%arg19 : memref<!tpu.dma_semaphore, #tpu.memory_space<semaphore_mem>>)
      %dma_wait3A_617 = arith.constant 0 : i32
      %dma_wait3A_618 = tpu.memref_slice %arg5[%dma_wait3A_617] : memref<3128xi32, #tpu.memory_space<vmem>> -> memref<64xi32, #tpu.memory_space<vmem>>
      %dma_wait3A_619 = arith.constant 0 : i32
      %dma_wait3A_620 = arith.constant 0 : i32
      %dma_wait3A_621 = tpu.memref_slice %arg3[%dma_wait3A_619, %dma_wait3A_620] : memref<100000x128xf32, #tpu.memory_space<hbm>> -> memref<100000x128xf32, #tpu.memory_space<hbm>>
      tpu.wait_indirect_dma semaphore(%arg21 : memref<!tpu.dma_semaphore, #tpu.memory_space<semaphore_mem>>) src(%dma_wait3A_621 : memref<100000x128xf32, #tpu.memory_space<hbm>>) dst(%arg8 : memref<64x128xf32, #tpu.memory_space<vmem>>)
      %add3A_622 = arith.constant 2 : i32
      %add3A_623 = arith.addi %mul3A_553, %add3A_622 : i32
      %mul3A_624 = arith.constant 64 : i32
      %mul3A_625 = arith.muli %add3A_623, %mul3A_624 : i32
      %add3A_626 = arith.addi %mul3A_2, %mul3A_625 : i32
      %dma_start3A_627 = arith.constant 0 : i32
      %dma_start3A_628 = tpu.memref_slice %arg4[%add3A_626, %dma_start3A_627] : memref<100000x128xf32, #tpu.memory_space<hbm>> -> memref<64x128xf32, #tpu.memory_space<hbm>>
      %dma_start3A_629 = arith.constant 0 : i32
      %dma_start3A_630 = tpu.memref_slice %arg4[%add3A_626, %dma_start3A_629] : memref<100000x128xf32, #tpu.memory_space<hbm>> -> memref<64x128xf32, #tpu.memory_space<hbm>>
      tpu.enqueue_dma source(%arg8 : memref<64x128xf32, #tpu.memory_space<vmem>>) target(%dma_start3A_630 : memref<64x128xf32, #tpu.memory_space<hbm>>) target_semaphore(%arg33 : memref<!tpu.dma_semaphore, #tpu.memory_space<semaphore_mem>>)
      %dma_wait3A_631 = arith.constant 0 : i32
      %dma_wait3A_632 = arith.constant 0 : i32
      %dma_wait3A_633 = tpu.memref_slice %arg4[%dma_wait3A_631, %dma_wait3A_632] : memref<100000x128xf32, #tpu.memory_space<hbm>> -> memref<64x128xf32, #tpu.memory_space<hbm>>
      %dma_wait3A_634 = arith.constant 0 : i32
      %dma_wait3A_635 = arith.constant 0 : i32
      %dma_wait3A_636 = tpu.memref_slice %arg4[%dma_wait3A_634, %dma_wait3A_635] : memref<100000x128xf32, #tpu.memory_space<hbm>> -> memref<64x128xf32, #tpu.memory_space<hbm>>
      tpu.wait_dma2 semaphore(%arg32 : memref<!tpu.dma_semaphore, #tpu.memory_space<semaphore_mem>>) src(%arg7 : memref<64x128xf32, #tpu.memory_space<vmem>>) dst(%dma_wait3A_636 : memref<64x128xf32, #tpu.memory_space<hbm>>)
      %add3A_637 = arith.constant 2 : i32
      %add3A_638 = arith.addi %mul3A_553, %add3A_637 : i32
      %add3A_639 = arith.constant 12 : i32
      %add3A_640 = arith.addi %add3A_638, %add3A_639 : i32
      %sub3A_641 = arith.constant 1 : i32
      %sub3A_642 = arith.subi %add3A_640, %sub3A_641 : i32
      %mul3A_643 = arith.constant 64 : i32
      %mul3A_644 = arith.muli %sub3A_642, %mul3A_643 : i32
      %dma_start3A_645 = tpu.memref_slice %arg5[%mul3A_644] : memref<3128xi32, #tpu.memory_space<vmem>> -> memref<64xi32, #tpu.memory_space<vmem>>
      %dma_start3A_646 = arith.constant 0 : i32
      %dma_start3A_647 = arith.constant 0 : i32
      %dma_start3A_648 = tpu.memref_slice %arg3[%dma_start3A_646, %dma_start3A_647] : memref<100000x128xf32, #tpu.memory_space<hbm>> -> memref<100000x128xf32, #tpu.memory_space<hbm>>
      tpu.enqueue_indirect_dma source(%dma_start3A_648 : memref<100000x128xf32, #tpu.memory_space<hbm>>) target(%arg7 : memref<64x128xf32, #tpu.memory_space<vmem>>) offsets(%dma_start3A_645 : memref<64xi32, #tpu.memory_space<vmem>>) semaphore(%arg20 : memref<!tpu.dma_semaphore, #tpu.memory_space<semaphore_mem>>)
      %dma_wait3A_649 = arith.constant 0 : i32
      %dma_wait3A_650 = tpu.memref_slice %arg5[%dma_wait3A_649] : memref<3128xi32, #tpu.memory_space<vmem>> -> memref<64xi32, #tpu.memory_space<vmem>>
      %dma_wait3A_651 = arith.constant 0 : i32
      %dma_wait3A_652 = arith.constant 0 : i32
      %dma_wait3A_653 = tpu.memref_slice %arg3[%dma_wait3A_651, %dma_wait3A_652] : memref<100000x128xf32, #tpu.memory_space<hbm>> -> memref<100000x128xf32, #tpu.memory_space<hbm>>
      tpu.wait_indirect_dma semaphore(%arg22 : memref<!tpu.dma_semaphore, #tpu.memory_space<semaphore_mem>>) src(%dma_wait3A_653 : memref<100000x128xf32, #tpu.memory_space<hbm>>) dst(%arg9 : memref<64x128xf32, #tpu.memory_space<vmem>>)
      %add3A_654 = arith.constant 3 : i32
      %add3A_655 = arith.addi %mul3A_553, %add3A_654 : i32
      %mul3A_656 = arith.constant 64 : i32
      %mul3A_657 = arith.muli %add3A_655, %mul3A_656 : i32
      %add3A_658 = arith.addi %mul3A_2, %mul3A_657 : i32
      %dma_start3A_659 = arith.constant 0 : i32
      %dma_start3A_660 = tpu.memref_slice %arg4[%add3A_658, %dma_start3A_659] : memref<100000x128xf32, #tpu.memory_space<hbm>> -> memref<64x128xf32, #tpu.memory_space<hbm>>
      %dma_start3A_661 = arith.constant 0 : i32
      %dma_start3A_662 = tpu.memref_slice %arg4[%add3A_658, %dma_start3A_661] : memref<100000x128xf32, #tpu.memory_space<hbm>> -> memref<64x128xf32, #tpu.memory_space<hbm>>
      tpu.enqueue_dma source(%arg9 : memref<64x128xf32, #tpu.memory_space<vmem>>) target(%dma_start3A_662 : memref<64x128xf32, #tpu.memory_space<hbm>>) target_semaphore(%arg34 : memref<!tpu.dma_semaphore, #tpu.memory_space<semaphore_mem>>)
      %dma_wait3A_663 = arith.constant 0 : i32
      %dma_wait3A_664 = arith.constant 0 : i32
      %dma_wait3A_665 = tpu.memref_slice %arg4[%dma_wait3A_663, %dma_wait3A_664] : memref<100000x128xf32, #tpu.memory_space<hbm>> -> memref<64x128xf32, #tpu.memory_space<hbm>>
      %dma_wait3A_666 = arith.constant 0 : i32
      %dma_wait3A_667 = arith.constant 0 : i32
      %dma_wait3A_668 = tpu.memref_slice %arg4[%dma_wait3A_666, %dma_wait3A_667] : memref<100000x128xf32, #tpu.memory_space<hbm>> -> memref<64x128xf32, #tpu.memory_space<hbm>>
      tpu.wait_dma2 semaphore(%arg33 : memref<!tpu.dma_semaphore, #tpu.memory_space<semaphore_mem>>) src(%arg8 : memref<64x128xf32, #tpu.memory_space<vmem>>) dst(%dma_wait3A_668 : memref<64x128xf32, #tpu.memory_space<hbm>>)
      %add3A_669 = arith.constant 3 : i32
      %add3A_670 = arith.addi %mul3A_553, %add3A_669 : i32
      %add3A_671 = arith.constant 12 : i32
      %add3A_672 = arith.addi %add3A_670, %add3A_671 : i32
      %sub3A_673 = arith.constant 1 : i32
      %sub3A_674 = arith.subi %add3A_672, %sub3A_673 : i32
      %mul3A_675 = arith.constant 64 : i32
      %mul3A_676 = arith.muli %sub3A_674, %mul3A_675 : i32
      %dma_start3A_677 = tpu.memref_slice %arg5[%mul3A_676] : memref<3128xi32, #tpu.memory_space<vmem>> -> memref<64xi32, #tpu.memory_space<vmem>>
      %dma_start3A_678 = arith.constant 0 : i32
      %dma_start3A_679 = arith.constant 0 : i32
      %dma_start3A_680 = tpu.memref_slice %arg3[%dma_start3A_678, %dma_start3A_679] : memref<100000x128xf32, #tpu.memory_space<hbm>> -> memref<100000x128xf32, #tpu.memory_space<hbm>>
      tpu.enqueue_indirect_dma source(%dma_start3A_680 : memref<100000x128xf32, #tpu.memory_space<hbm>>) target(%arg8 : memref<64x128xf32, #tpu.memory_space<vmem>>) offsets(%dma_start3A_677 : memref<64xi32, #tpu.memory_space<vmem>>) semaphore(%arg21 : memref<!tpu.dma_semaphore, #tpu.memory_space<semaphore_mem>>)
      %dma_wait3A_681 = arith.constant 0 : i32
      %dma_wait3A_682 = tpu.memref_slice %arg5[%dma_wait3A_681] : memref<3128xi32, #tpu.memory_space<vmem>> -> memref<64xi32, #tpu.memory_space<vmem>>
      %dma_wait3A_683 = arith.constant 0 : i32
      %dma_wait3A_684 = arith.constant 0 : i32
      %dma_wait3A_685 = tpu.memref_slice %arg3[%dma_wait3A_683, %dma_wait3A_684] : memref<100000x128xf32, #tpu.memory_space<hbm>> -> memref<100000x128xf32, #tpu.memory_space<hbm>>
      tpu.wait_indirect_dma semaphore(%arg23 : memref<!tpu.dma_semaphore, #tpu.memory_space<semaphore_mem>>) src(%dma_wait3A_685 : memref<100000x128xf32, #tpu.memory_space<hbm>>) dst(%arg10 : memref<64x128xf32, #tpu.memory_space<vmem>>)
      %add3A_686 = arith.constant 4 : i32
      %add3A_687 = arith.addi %mul3A_553, %add3A_686 : i32
      %mul3A_688 = arith.constant 64 : i32
      %mul3A_689 = arith.muli %add3A_687, %mul3A_688 : i32
      %add3A_690 = arith.addi %mul3A_2, %mul3A_689 : i32
      %dma_start3A_691 = arith.constant 0 : i32
      %dma_start3A_692 = tpu.memref_slice %arg4[%add3A_690, %dma_start3A_691] : memref<100000x128xf32, #tpu.memory_space<hbm>> -> memref<64x128xf32, #tpu.memory_space<hbm>>
      %dma_start3A_693 = arith.constant 0 : i32
      %dma_start3A_694 = tpu.memref_slice %arg4[%add3A_690, %dma_start3A_693] : memref<100000x128xf32, #tpu.memory_space<hbm>> -> memref<64x128xf32, #tpu.memory_space<hbm>>
      tpu.enqueue_dma source(%arg10 : memref<64x128xf32, #tpu.memory_space<vmem>>) target(%dma_start3A_694 : memref<64x128xf32, #tpu.memory_space<hbm>>) target_semaphore(%arg35 : memref<!tpu.dma_semaphore, #tpu.memory_space<semaphore_mem>>)
      %dma_wait3A_695 = arith.constant 0 : i32
      %dma_wait3A_696 = arith.constant 0 : i32
      %dma_wait3A_697 = tpu.memref_slice %arg4[%dma_wait3A_695, %dma_wait3A_696] : memref<100000x128xf32, #tpu.memory_space<hbm>> -> memref<64x128xf32, #tpu.memory_space<hbm>>
      %dma_wait3A_698 = arith.constant 0 : i32
      %dma_wait3A_699 = arith.constant 0 : i32
      %dma_wait3A_700 = tpu.memref_slice %arg4[%dma_wait3A_698, %dma_wait3A_699] : memref<100000x128xf32, #tpu.memory_space<hbm>> -> memref<64x128xf32, #tpu.memory_space<hbm>>
      tpu.wait_dma2 semaphore(%arg34 : memref<!tpu.dma_semaphore, #tpu.memory_space<semaphore_mem>>) src(%arg9 : memref<64x128xf32, #tpu.memory_space<vmem>>) dst(%dma_wait3A_700 : memref<64x128xf32, #tpu.memory_space<hbm>>)
      %add3A_701 = arith.constant 4 : i32
      %add3A_702 = arith.addi %mul3A_553, %add3A_701 : i32
      %add3A_703 = arith.constant 12 : i32
      %add3A_704 = arith.addi %add3A_702, %add3A_703 : i32
      %sub3A_705 = arith.constant 1 : i32
      %sub3A_706 = arith.subi %add3A_704, %sub3A_705 : i32
      %mul3A_707 = arith.constant 64 : i32
      %mul3A_708 = arith.muli %sub3A_706, %mul3A_707 : i32
      %dma_start3A_709 = tpu.memref_slice %arg5[%mul3A_708] : memref<3128xi32, #tpu.memory_space<vmem>> -> memref<64xi32, #tpu.memory_space<vmem>>
      %dma_start3A_710 = arith.constant 0 : i32
      %dma_start3A_711 = arith.constant 0 : i32
      %dma_start3A_712 = tpu.memref_slice %arg3[%dma_start3A_710, %dma_start3A_711] : memref<100000x128xf32, #tpu.memory_space<hbm>> -> memref<100000x128xf32, #tpu.memory_space<hbm>>
      tpu.enqueue_indirect_dma source(%dma_start3A_712 : memref<100000x128xf32, #tpu.memory_space<hbm>>) target(%arg9 : memref<64x128xf32, #tpu.memory_space<vmem>>) offsets(%dma_start3A_709 : memref<64xi32, #tpu.memory_space<vmem>>) semaphore(%arg22 : memref<!tpu.dma_semaphore, #tpu.memory_space<semaphore_mem>>)
      %dma_wait3A_713 = arith.constant 0 : i32
      %dma_wait3A_714 = tpu.memref_slice %arg5[%dma_wait3A_713] : memref<3128xi32, #tpu.memory_space<vmem>> -> memref<64xi32, #tpu.memory_space<vmem>>
      %dma_wait3A_715 = arith.constant 0 : i32
      %dma_wait3A_716 = arith.constant 0 : i32
      %dma_wait3A_717 = tpu.memref_slice %arg3[%dma_wait3A_715, %dma_wait3A_716] : memref<100000x128xf32, #tpu.memory_space<hbm>> -> memref<100000x128xf32, #tpu.memory_space<hbm>>
      tpu.wait_indirect_dma semaphore(%arg24 : memref<!tpu.dma_semaphore, #tpu.memory_space<semaphore_mem>>) src(%dma_wait3A_717 : memref<100000x128xf32, #tpu.memory_space<hbm>>) dst(%arg11 : memref<64x128xf32, #tpu.memory_space<vmem>>)
      %add3A_718 = arith.constant 5 : i32
      %add3A_719 = arith.addi %mul3A_553, %add3A_718 : i32
      %mul3A_720 = arith.constant 64 : i32
      %mul3A_721 = arith.muli %add3A_719, %mul3A_720 : i32
      %add3A_722 = arith.addi %mul3A_2, %mul3A_721 : i32
      %dma_start3A_723 = arith.constant 0 : i32
      %dma_start3A_724 = tpu.memref_slice %arg4[%add3A_722, %dma_start3A_723] : memref<100000x128xf32, #tpu.memory_space<hbm>> -> memref<64x128xf32, #tpu.memory_space<hbm>>
      %dma_start3A_725 = arith.constant 0 : i32
      %dma_start3A_726 = tpu.memref_slice %arg4[%add3A_722, %dma_start3A_725] : memref<100000x128xf32, #tpu.memory_space<hbm>> -> memref<64x128xf32, #tpu.memory_space<hbm>>
      tpu.enqueue_dma source(%arg11 : memref<64x128xf32, #tpu.memory_space<vmem>>) target(%dma_start3A_726 : memref<64x128xf32, #tpu.memory_space<hbm>>) target_semaphore(%arg36 : memref<!tpu.dma_semaphore, #tpu.memory_space<semaphore_mem>>)
      %dma_wait3A_727 = arith.constant 0 : i32
      %dma_wait3A_728 = arith.constant 0 : i32
      %dma_wait3A_729 = tpu.memref_slice %arg4[%dma_wait3A_727, %dma_wait3A_728] : memref<100000x128xf32, #tpu.memory_space<hbm>> -> memref<64x128xf32, #tpu.memory_space<hbm>>
      %dma_wait3A_730 = arith.constant 0 : i32
      %dma_wait3A_731 = arith.constant 0 : i32
      %dma_wait3A_732 = tpu.memref_slice %arg4[%dma_wait3A_730, %dma_wait3A_731] : memref<100000x128xf32, #tpu.memory_space<hbm>> -> memref<64x128xf32, #tpu.memory_space<hbm>>
      tpu.wait_dma2 semaphore(%arg35 : memref<!tpu.dma_semaphore, #tpu.memory_space<semaphore_mem>>) src(%arg10 : memref<64x128xf32, #tpu.memory_space<vmem>>) dst(%dma_wait3A_732 : memref<64x128xf32, #tpu.memory_space<hbm>>)
      %add3A_733 = arith.constant 5 : i32
      %add3A_734 = arith.addi %mul3A_553, %add3A_733 : i32
      %add3A_735 = arith.constant 12 : i32
      %add3A_736 = arith.addi %add3A_734, %add3A_735 : i32
      %sub3A_737 = arith.constant 1 : i32
      %sub3A_738 = arith.subi %add3A_736, %sub3A_737 : i32
      %mul3A_739 = arith.constant 64 : i32
      %mul3A_740 = arith.muli %sub3A_738, %mul3A_739 : i32
      %dma_start3A_741 = tpu.memref_slice %arg5[%mul3A_740] : memref<3128xi32, #tpu.memory_space<vmem>> -> memref<64xi32, #tpu.memory_space<vmem>>
      %dma_start3A_742 = arith.constant 0 : i32
      %dma_start3A_743 = arith.constant 0 : i32
      %dma_start3A_744 = tpu.memref_slice %arg3[%dma_start3A_742, %dma_start3A_743] : memref<100000x128xf32, #tpu.memory_space<hbm>> -> memref<100000x128xf32, #tpu.memory_space<hbm>>
      tpu.enqueue_indirect_dma source(%dma_start3A_744 : memref<100000x128xf32, #tpu.memory_space<hbm>>) target(%arg10 : memref<64x128xf32, #tpu.memory_space<vmem>>) offsets(%dma_start3A_741 : memref<64xi32, #tpu.memory_space<vmem>>) semaphore(%arg23 : memref<!tpu.dma_semaphore, #tpu.memory_space<semaphore_mem>>)
      %dma_wait3A_745 = arith.constant 0 : i32
      %dma_wait3A_746 = tpu.memref_slice %arg5[%dma_wait3A_745] : memref<3128xi32, #tpu.memory_space<vmem>> -> memref<64xi32, #tpu.memory_space<vmem>>
      %dma_wait3A_747 = arith.constant 0 : i32
      %dma_wait3A_748 = arith.constant 0 : i32
      %dma_wait3A_749 = tpu.memref_slice %arg3[%dma_wait3A_747, %dma_wait3A_748] : memref<100000x128xf32, #tpu.memory_space<hbm>> -> memref<100000x128xf32, #tpu.memory_space<hbm>>
      tpu.wait_indirect_dma semaphore(%arg25 : memref<!tpu.dma_semaphore, #tpu.memory_space<semaphore_mem>>) src(%dma_wait3A_749 : memref<100000x128xf32, #tpu.memory_space<hbm>>) dst(%arg12 : memref<64x128xf32, #tpu.memory_space<vmem>>)
      %add3A_750 = arith.constant 6 : i32
      %add3A_751 = arith.addi %mul3A_553, %add3A_750 : i32
      %mul3A_752 = arith.constant 64 : i32
      %mul3A_753 = arith.muli %add3A_751, %mul3A_752 : i32
      %add3A_754 = arith.addi %mul3A_2, %mul3A_753 : i32
      %dma_start3A_755 = arith.constant 0 : i32
      %dma_start3A_756 = tpu.memref_slice %arg4[%add3A_754, %dma_start3A_755] : memref<100000x128xf32, #tpu.memory_space<hbm>> -> memref<64x128xf32, #tpu.memory_space<hbm>>
      %dma_start3A_757 = arith.constant 0 : i32
      %dma_start3A_758 = tpu.memref_slice %arg4[%add3A_754, %dma_start3A_757] : memref<100000x128xf32, #tpu.memory_space<hbm>> -> memref<64x128xf32, #tpu.memory_space<hbm>>
      tpu.enqueue_dma source(%arg12 : memref<64x128xf32, #tpu.memory_space<vmem>>) target(%dma_start3A_758 : memref<64x128xf32, #tpu.memory_space<hbm>>) target_semaphore(%arg37 : memref<!tpu.dma_semaphore, #tpu.memory_space<semaphore_mem>>)
      %dma_wait3A_759 = arith.constant 0 : i32
      %dma_wait3A_760 = arith.constant 0 : i32
      %dma_wait3A_761 = tpu.memref_slice %arg4[%dma_wait3A_759, %dma_wait3A_760] : memref<100000x128xf32, #tpu.memory_space<hbm>> -> memref<64x128xf32, #tpu.memory_space<hbm>>
      %dma_wait3A_762 = arith.constant 0 : i32
      %dma_wait3A_763 = arith.constant 0 : i32
      %dma_wait3A_764 = tpu.memref_slice %arg4[%dma_wait3A_762, %dma_wait3A_763] : memref<100000x128xf32, #tpu.memory_space<hbm>> -> memref<64x128xf32, #tpu.memory_space<hbm>>
      tpu.wait_dma2 semaphore(%arg36 : memref<!tpu.dma_semaphore, #tpu.memory_space<semaphore_mem>>) src(%arg11 : memref<64x128xf32, #tpu.memory_space<vmem>>) dst(%dma_wait3A_764 : memref<64x128xf32, #tpu.memory_space<hbm>>)
      %add3A_765 = arith.constant 6 : i32
      %add3A_766 = arith.addi %mul3A_553, %add3A_765 : i32
      %add3A_767 = arith.constant 12 : i32
      %add3A_768 = arith.addi %add3A_766, %add3A_767 : i32
      %sub3A_769 = arith.constant 1 : i32
      %sub3A_770 = arith.subi %add3A_768, %sub3A_769 : i32
      %mul3A_771 = arith.constant 64 : i32
      %mul3A_772 = arith.muli %sub3A_770, %mul3A_771 : i32
      %dma_start3A_773 = tpu.memref_slice %arg5[%mul3A_772] : memref<3128xi32, #tpu.memory_space<vmem>> -> memref<64xi32, #tpu.memory_space<vmem>>
      %dma_start3A_774 = arith.constant 0 : i32
      %dma_start3A_775 = arith.constant 0 : i32
      %dma_start3A_776 = tpu.memref_slice %arg3[%dma_start3A_774, %dma_start3A_775] : memref<100000x128xf32, #tpu.memory_space<hbm>> -> memref<100000x128xf32, #tpu.memory_space<hbm>>
      tpu.enqueue_indirect_dma source(%dma_start3A_776 : memref<100000x128xf32, #tpu.memory_space<hbm>>) target(%arg11 : memref<64x128xf32, #tpu.memory_space<vmem>>) offsets(%dma_start3A_773 : memref<64xi32, #tpu.memory_space<vmem>>) semaphore(%arg24 : memref<!tpu.dma_semaphore, #tpu.memory_space<semaphore_mem>>)
      %dma_wait3A_777 = arith.constant 0 : i32
      %dma_wait3A_778 = tpu.memref_slice %arg5[%dma_wait3A_777] : memref<3128xi32, #tpu.memory_space<vmem>> -> memref<64xi32, #tpu.memory_space<vmem>>
      %dma_wait3A_779 = arith.constant 0 : i32
      %dma_wait3A_780 = arith.constant 0 : i32
      %dma_wait3A_781 = tpu.memref_slice %arg3[%dma_wait3A_779, %dma_wait3A_780] : memref<100000x128xf32, #tpu.memory_space<hbm>> -> memref<100000x128xf32, #tpu.memory_space<hbm>>
      tpu.wait_indirect_dma semaphore(%arg26 : memref<!tpu.dma_semaphore, #tpu.memory_space<semaphore_mem>>) src(%dma_wait3A_781 : memref<100000x128xf32, #tpu.memory_space<hbm>>) dst(%arg13 : memref<64x128xf32, #tpu.memory_space<vmem>>)
      %add3A_782 = arith.constant 7 : i32
      %add3A_783 = arith.addi %mul3A_553, %add3A_782 : i32
      %mul3A_784 = arith.constant 64 : i32
      %mul3A_785 = arith.muli %add3A_783, %mul3A_784 : i32
      %add3A_786 = arith.addi %mul3A_2, %mul3A_785 : i32
      %dma_start3A_787 = arith.constant 0 : i32
      %dma_start3A_788 = tpu.memref_slice %arg4[%add3A_786, %dma_start3A_787] : memref<100000x128xf32, #tpu.memory_space<hbm>> -> memref<64x128xf32, #tpu.memory_space<hbm>>
      %dma_start3A_789 = arith.constant 0 : i32
      %dma_start3A_790 = tpu.memref_slice %arg4[%add3A_786, %dma_start3A_789] : memref<100000x128xf32, #tpu.memory_space<hbm>> -> memref<64x128xf32, #tpu.memory_space<hbm>>
      tpu.enqueue_dma source(%arg13 : memref<64x128xf32, #tpu.memory_space<vmem>>) target(%dma_start3A_790 : memref<64x128xf32, #tpu.memory_space<hbm>>) target_semaphore(%arg38 : memref<!tpu.dma_semaphore, #tpu.memory_space<semaphore_mem>>)
      %dma_wait3A_791 = arith.constant 0 : i32
      %dma_wait3A_792 = arith.constant 0 : i32
      %dma_wait3A_793 = tpu.memref_slice %arg4[%dma_wait3A_791, %dma_wait3A_792] : memref<100000x128xf32, #tpu.memory_space<hbm>> -> memref<64x128xf32, #tpu.memory_space<hbm>>
      %dma_wait3A_794 = arith.constant 0 : i32
      %dma_wait3A_795 = arith.constant 0 : i32
      %dma_wait3A_796 = tpu.memref_slice %arg4[%dma_wait3A_794, %dma_wait3A_795] : memref<100000x128xf32, #tpu.memory_space<hbm>> -> memref<64x128xf32, #tpu.memory_space<hbm>>
      tpu.wait_dma2 semaphore(%arg37 : memref<!tpu.dma_semaphore, #tpu.memory_space<semaphore_mem>>) src(%arg12 : memref<64x128xf32, #tpu.memory_space<vmem>>) dst(%dma_wait3A_796 : memref<64x128xf32, #tpu.memory_space<hbm>>)
      %add3A_797 = arith.constant 7 : i32
      %add3A_798 = arith.addi %mul3A_553, %add3A_797 : i32
      %add3A_799 = arith.constant 12 : i32
      %add3A_800 = arith.addi %add3A_798, %add3A_799 : i32
      %sub3A_801 = arith.constant 1 : i32
      %sub3A_802 = arith.subi %add3A_800, %sub3A_801 : i32
      %mul3A_803 = arith.constant 64 : i32
      %mul3A_804 = arith.muli %sub3A_802, %mul3A_803 : i32
      %dma_start3A_805 = tpu.memref_slice %arg5[%mul3A_804] : memref<3128xi32, #tpu.memory_space<vmem>> -> memref<64xi32, #tpu.memory_space<vmem>>
      %dma_start3A_806 = arith.constant 0 : i32
      %dma_start3A_807 = arith.constant 0 : i32
      %dma_start3A_808 = tpu.memref_slice %arg3[%dma_start3A_806, %dma_start3A_807] : memref<100000x128xf32, #tpu.memory_space<hbm>> -> memref<100000x128xf32, #tpu.memory_space<hbm>>
      tpu.enqueue_indirect_dma source(%dma_start3A_808 : memref<100000x128xf32, #tpu.memory_space<hbm>>) target(%arg12 : memref<64x128xf32, #tpu.memory_space<vmem>>) offsets(%dma_start3A_805 : memref<64xi32, #tpu.memory_space<vmem>>) semaphore(%arg25 : memref<!tpu.dma_semaphore, #tpu.memory_space<semaphore_mem>>)
      %dma_wait3A_809 = arith.constant 0 : i32
      %dma_wait3A_810 = tpu.memref_slice %arg5[%dma_wait3A_809] : memref<3128xi32, #tpu.memory_space<vmem>> -> memref<64xi32, #tpu.memory_space<vmem>>
      %dma_wait3A_811 = arith.constant 0 : i32
      %dma_wait3A_812 = arith.constant 0 : i32
      %dma_wait3A_813 = tpu.memref_slice %arg3[%dma_wait3A_811, %dma_wait3A_812] : memref<100000x128xf32, #tpu.memory_space<hbm>> -> memref<100000x128xf32, #tpu.memory_space<hbm>>
      tpu.wait_indirect_dma semaphore(%arg27 : memref<!tpu.dma_semaphore, #tpu.memory_space<semaphore_mem>>) src(%dma_wait3A_813 : memref<100000x128xf32, #tpu.memory_space<hbm>>) dst(%arg14 : memref<64x128xf32, #tpu.memory_space<vmem>>)
      %add3A_814 = arith.constant 8 : i32
      %add3A_815 = arith.addi %mul3A_553, %add3A_814 : i32
      %mul3A_816 = arith.constant 64 : i32
      %mul3A_817 = arith.muli %add3A_815, %mul3A_816 : i32
      %add3A_818 = arith.addi %mul3A_2, %mul3A_817 : i32
      %dma_start3A_819 = arith.constant 0 : i32
      %dma_start3A_820 = tpu.memref_slice %arg4[%add3A_818, %dma_start3A_819] : memref<100000x128xf32, #tpu.memory_space<hbm>> -> memref<64x128xf32, #tpu.memory_space<hbm>>
      %dma_start3A_821 = arith.constant 0 : i32
      %dma_start3A_822 = tpu.memref_slice %arg4[%add3A_818, %dma_start3A_821] : memref<100000x128xf32, #tpu.memory_space<hbm>> -> memref<64x128xf32, #tpu.memory_space<hbm>>
      tpu.enqueue_dma source(%arg14 : memref<64x128xf32, #tpu.memory_space<vmem>>) target(%dma_start3A_822 : memref<64x128xf32, #tpu.memory_space<hbm>>) target_semaphore(%arg39 : memref<!tpu.dma_semaphore, #tpu.memory_space<semaphore_mem>>)
      %dma_wait3A_823 = arith.constant 0 : i32
      %dma_wait3A_824 = arith.constant 0 : i32
      %dma_wait3A_825 = tpu.memref_slice %arg4[%dma_wait3A_823, %dma_wait3A_824] : memref<100000x128xf32, #tpu.memory_space<hbm>> -> memref<64x128xf32, #tpu.memory_space<hbm>>
      %dma_wait3A_826 = arith.constant 0 : i32
      %dma_wait3A_827 = arith.constant 0 : i32
      %dma_wait3A_828 = tpu.memref_slice %arg4[%dma_wait3A_826, %dma_wait3A_827] : memref<100000x128xf32, #tpu.memory_space<hbm>> -> memref<64x128xf32, #tpu.memory_space<hbm>>
      tpu.wait_dma2 semaphore(%arg38 : memref<!tpu.dma_semaphore, #tpu.memory_space<semaphore_mem>>) src(%arg13 : memref<64x128xf32, #tpu.memory_space<vmem>>) dst(%dma_wait3A_828 : memref<64x128xf32, #tpu.memory_space<hbm>>)
      %add3A_829 = arith.constant 8 : i32
      %add3A_830 = arith.addi %mul3A_553, %add3A_829 : i32
      %add3A_831 = arith.constant 12 : i32
      %add3A_832 = arith.addi %add3A_830, %add3A_831 : i32
      %sub3A_833 = arith.constant 1 : i32
      %sub3A_834 = arith.subi %add3A_832, %sub3A_833 : i32
      %mul3A_835 = arith.constant 64 : i32
      %mul3A_836 = arith.muli %sub3A_834, %mul3A_835 : i32
      %dma_start3A_837 = tpu.memref_slice %arg5[%mul3A_836] : memref<3128xi32, #tpu.memory_space<vmem>> -> memref<64xi32, #tpu.memory_space<vmem>>
      %dma_start3A_838 = arith.constant 0 : i32
      %dma_start3A_839 = arith.constant 0 : i32
      %dma_start3A_840 = tpu.memref_slice %arg3[%dma_start3A_838, %dma_start3A_839] : memref<100000x128xf32, #tpu.memory_space<hbm>> -> memref<100000x128xf32, #tpu.memory_space<hbm>>
      tpu.enqueue_indirect_dma source(%dma_start3A_840 : memref<100000x128xf32, #tpu.memory_space<hbm>>) target(%arg13 : memref<64x128xf32, #tpu.memory_space<vmem>>) offsets(%dma_start3A_837 : memref<64xi32, #tpu.memory_space<vmem>>) semaphore(%arg26 : memref<!tpu.dma_semaphore, #tpu.memory_space<semaphore_mem>>)
      %dma_wait3A_841 = arith.constant 0 : i32
      %dma_wait3A_842 = tpu.memref_slice %arg5[%dma_wait3A_841] : memref<3128xi32, #tpu.memory_space<vmem>> -> memref<64xi32, #tpu.memory_space<vmem>>
      %dma_wait3A_843 = arith.constant 0 : i32
      %dma_wait3A_844 = arith.constant 0 : i32
      %dma_wait3A_845 = tpu.memref_slice %arg3[%dma_wait3A_843, %dma_wait3A_844] : memref<100000x128xf32, #tpu.memory_space<hbm>> -> memref<100000x128xf32, #tpu.memory_space<hbm>>
      tpu.wait_indirect_dma semaphore(%arg28 : memref<!tpu.dma_semaphore, #tpu.memory_space<semaphore_mem>>) src(%dma_wait3A_845 : memref<100000x128xf32, #tpu.memory_space<hbm>>) dst(%arg15 : memref<64x128xf32, #tpu.memory_space<vmem>>)
      %add3A_846 = arith.constant 9 : i32
      %add3A_847 = arith.addi %mul3A_553, %add3A_846 : i32
      %mul3A_848 = arith.constant 64 : i32
      %mul3A_849 = arith.muli %add3A_847, %mul3A_848 : i32
      %add3A_850 = arith.addi %mul3A_2, %mul3A_849 : i32
      %dma_start3A_851 = arith.constant 0 : i32
      %dma_start3A_852 = tpu.memref_slice %arg4[%add3A_850, %dma_start3A_851] : memref<100000x128xf32, #tpu.memory_space<hbm>> -> memref<64x128xf32, #tpu.memory_space<hbm>>
      %dma_start3A_853 = arith.constant 0 : i32
      %dma_start3A_854 = tpu.memref_slice %arg4[%add3A_850, %dma_start3A_853] : memref<100000x128xf32, #tpu.memory_space<hbm>> -> memref<64x128xf32, #tpu.memory_space<hbm>>
      tpu.enqueue_dma source(%arg15 : memref<64x128xf32, #tpu.memory_space<vmem>>) target(%dma_start3A_854 : memref<64x128xf32, #tpu.memory_space<hbm>>) target_semaphore(%arg40 : memref<!tpu.dma_semaphore, #tpu.memory_space<semaphore_mem>>)
      %dma_wait3A_855 = arith.constant 0 : i32
      %dma_wait3A_856 = arith.constant 0 : i32
      %dma_wait3A_857 = tpu.memref_slice %arg4[%dma_wait3A_855, %dma_wait3A_856] : memref<100000x128xf32, #tpu.memory_space<hbm>> -> memref<64x128xf32, #tpu.memory_space<hbm>>
      %dma_wait3A_858 = arith.constant 0 : i32
      %dma_wait3A_859 = arith.constant 0 : i32
      %dma_wait3A_860 = tpu.memref_slice %arg4[%dma_wait3A_858, %dma_wait3A_859] : memref<100000x128xf32, #tpu.memory_space<hbm>> -> memref<64x128xf32, #tpu.memory_space<hbm>>
      tpu.wait_dma2 semaphore(%arg39 : memref<!tpu.dma_semaphore, #tpu.memory_space<semaphore_mem>>) src(%arg14 : memref<64x128xf32, #tpu.memory_space<vmem>>) dst(%dma_wait3A_860 : memref<64x128xf32, #tpu.memory_space<hbm>>)
      %add3A_861 = arith.constant 9 : i32
      %add3A_862 = arith.addi %mul3A_553, %add3A_861 : i32
      %add3A_863 = arith.constant 12 : i32
      %add3A_864 = arith.addi %add3A_862, %add3A_863 : i32
      %sub3A_865 = arith.constant 1 : i32
      %sub3A_866 = arith.subi %add3A_864, %sub3A_865 : i32
      %mul3A_867 = arith.constant 64 : i32
      %mul3A_868 = arith.muli %sub3A_866, %mul3A_867 : i32
      %dma_start3A_869 = tpu.memref_slice %arg5[%mul3A_868] : memref<3128xi32, #tpu.memory_space<vmem>> -> memref<64xi32, #tpu.memory_space<vmem>>
      %dma_start3A_870 = arith.constant 0 : i32
      %dma_start3A_871 = arith.constant 0 : i32
      %dma_start3A_872 = tpu.memref_slice %arg3[%dma_start3A_870, %dma_start3A_871] : memref<100000x128xf32, #tpu.memory_space<hbm>> -> memref<100000x128xf32, #tpu.memory_space<hbm>>
      tpu.enqueue_indirect_dma source(%dma_start3A_872 : memref<100000x128xf32, #tpu.memory_space<hbm>>) target(%arg14 : memref<64x128xf32, #tpu.memory_space<vmem>>) offsets(%dma_start3A_869 : memref<64xi32, #tpu.memory_space<vmem>>) semaphore(%arg27 : memref<!tpu.dma_semaphore, #tpu.memory_space<semaphore_mem>>)
      %dma_wait3A_873 = arith.constant 0 : i32
      %dma_wait3A_874 = tpu.memref_slice %arg5[%dma_wait3A_873] : memref<3128xi32, #tpu.memory_space<vmem>> -> memref<64xi32, #tpu.memory_space<vmem>>
      %dma_wait3A_875 = arith.constant 0 : i32
      %dma_wait3A_876 = arith.constant 0 : i32
      %dma_wait3A_877 = tpu.memref_slice %arg3[%dma_wait3A_875, %dma_wait3A_876] : memref<100000x128xf32, #tpu.memory_space<hbm>> -> memref<100000x128xf32, #tpu.memory_space<hbm>>
      tpu.wait_indirect_dma semaphore(%arg29 : memref<!tpu.dma_semaphore, #tpu.memory_space<semaphore_mem>>) src(%dma_wait3A_877 : memref<100000x128xf32, #tpu.memory_space<hbm>>) dst(%arg16 : memref<64x128xf32, #tpu.memory_space<vmem>>)
      %add3A_878 = arith.constant 10 : i32
      %add3A_879 = arith.addi %mul3A_553, %add3A_878 : i32
      %mul3A_880 = arith.constant 64 : i32
      %mul3A_881 = arith.muli %add3A_879, %mul3A_880 : i32
      %add3A_882 = arith.addi %mul3A_2, %mul3A_881 : i32
      %dma_start3A_883 = arith.constant 0 : i32
      %dma_start3A_884 = tpu.memref_slice %arg4[%add3A_882, %dma_start3A_883] : memref<100000x128xf32, #tpu.memory_space<hbm>> -> memref<64x128xf32, #tpu.memory_space<hbm>>
      %dma_start3A_885 = arith.constant 0 : i32
      %dma_start3A_886 = tpu.memref_slice %arg4[%add3A_882, %dma_start3A_885] : memref<100000x128xf32, #tpu.memory_space<hbm>> -> memref<64x128xf32, #tpu.memory_space<hbm>>
      tpu.enqueue_dma source(%arg16 : memref<64x128xf32, #tpu.memory_space<vmem>>) target(%dma_start3A_886 : memref<64x128xf32, #tpu.memory_space<hbm>>) target_semaphore(%arg41 : memref<!tpu.dma_semaphore, #tpu.memory_space<semaphore_mem>>)
      %dma_wait3A_887 = arith.constant 0 : i32
      %dma_wait3A_888 = arith.constant 0 : i32
      %dma_wait3A_889 = tpu.memref_slice %arg4[%dma_wait3A_887, %dma_wait3A_888] : memref<100000x128xf32, #tpu.memory_space<hbm>> -> memref<64x128xf32, #tpu.memory_space<hbm>>
      %dma_wait3A_890 = arith.constant 0 : i32
      %dma_wait3A_891 = arith.constant 0 : i32
      %dma_wait3A_892 = tpu.memref_slice %arg4[%dma_wait3A_890, %dma_wait3A_891] : memref<100000x128xf32, #tpu.memory_space<hbm>> -> memref<64x128xf32, #tpu.memory_space<hbm>>
      tpu.wait_dma2 semaphore(%arg40 : memref<!tpu.dma_semaphore, #tpu.memory_space<semaphore_mem>>) src(%arg15 : memref<64x128xf32, #tpu.memory_space<vmem>>) dst(%dma_wait3A_892 : memref<64x128xf32, #tpu.memory_space<hbm>>)
      %add3A_893 = arith.constant 10 : i32
      %add3A_894 = arith.addi %mul3A_553, %add3A_893 : i32
      %add3A_895 = arith.constant 12 : i32
      %add3A_896 = arith.addi %add3A_894, %add3A_895 : i32
      %sub3A_897 = arith.constant 1 : i32
      %sub3A_898 = arith.subi %add3A_896, %sub3A_897 : i32
      %mul3A_899 = arith.constant 64 : i32
      %mul3A_900 = arith.muli %sub3A_898, %mul3A_899 : i32
      %dma_start3A_901 = tpu.memref_slice %arg5[%mul3A_900] : memref<3128xi32, #tpu.memory_space<vmem>> -> memref<64xi32, #tpu.memory_space<vmem>>
      %dma_start3A_902 = arith.constant 0 : i32
      %dma_start3A_903 = arith.constant 0 : i32
      %dma_start3A_904 = tpu.memref_slice %arg3[%dma_start3A_902, %dma_start3A_903] : memref<100000x128xf32, #tpu.memory_space<hbm>> -> memref<100000x128xf32, #tpu.memory_space<hbm>>
      tpu.enqueue_indirect_dma source(%dma_start3A_904 : memref<100000x128xf32, #tpu.memory_space<hbm>>) target(%arg15 : memref<64x128xf32, #tpu.memory_space<vmem>>) offsets(%dma_start3A_901 : memref<64xi32, #tpu.memory_space<vmem>>) semaphore(%arg28 : memref<!tpu.dma_semaphore, #tpu.memory_space<semaphore_mem>>)
      %dma_wait3A_905 = arith.constant 0 : i32
      %dma_wait3A_906 = tpu.memref_slice %arg5[%dma_wait3A_905] : memref<3128xi32, #tpu.memory_space<vmem>> -> memref<64xi32, #tpu.memory_space<vmem>>
      %dma_wait3A_907 = arith.constant 0 : i32
      %dma_wait3A_908 = arith.constant 0 : i32
      %dma_wait3A_909 = tpu.memref_slice %arg3[%dma_wait3A_907, %dma_wait3A_908] : memref<100000x128xf32, #tpu.memory_space<hbm>> -> memref<100000x128xf32, #tpu.memory_space<hbm>>
      tpu.wait_indirect_dma semaphore(%arg30 : memref<!tpu.dma_semaphore, #tpu.memory_space<semaphore_mem>>) src(%dma_wait3A_909 : memref<100000x128xf32, #tpu.memory_space<hbm>>) dst(%arg17 : memref<64x128xf32, #tpu.memory_space<vmem>>)
      %add3A_910 = arith.constant 11 : i32
      %add3A_911 = arith.addi %mul3A_553, %add3A_910 : i32
      %mul3A_912 = arith.constant 64 : i32
      %mul3A_913 = arith.muli %add3A_911, %mul3A_912 : i32
      %add3A_914 = arith.addi %mul3A_2, %mul3A_913 : i32
      %dma_start3A_915 = arith.constant 0 : i32
      %dma_start3A_916 = tpu.memref_slice %arg4[%add3A_914, %dma_start3A_915] : memref<100000x128xf32, #tpu.memory_space<hbm>> -> memref<64x128xf32, #tpu.memory_space<hbm>>
      %dma_start3A_917 = arith.constant 0 : i32
      %dma_start3A_918 = tpu.memref_slice %arg4[%add3A_914, %dma_start3A_917] : memref<100000x128xf32, #tpu.memory_space<hbm>> -> memref<64x128xf32, #tpu.memory_space<hbm>>
      tpu.enqueue_dma source(%arg17 : memref<64x128xf32, #tpu.memory_space<vmem>>) target(%dma_start3A_918 : memref<64x128xf32, #tpu.memory_space<hbm>>) target_semaphore(%arg42 : memref<!tpu.dma_semaphore, #tpu.memory_space<semaphore_mem>>)
      %dma_wait3A_919 = arith.constant 0 : i32
      %dma_wait3A_920 = arith.constant 0 : i32
      %dma_wait3A_921 = tpu.memref_slice %arg4[%dma_wait3A_919, %dma_wait3A_920] : memref<100000x128xf32, #tpu.memory_space<hbm>> -> memref<64x128xf32, #tpu.memory_space<hbm>>
      %dma_wait3A_922 = arith.constant 0 : i32
      %dma_wait3A_923 = arith.constant 0 : i32
      %dma_wait3A_924 = tpu.memref_slice %arg4[%dma_wait3A_922, %dma_wait3A_923] : memref<100000x128xf32, #tpu.memory_space<hbm>> -> memref<64x128xf32, #tpu.memory_space<hbm>>
      tpu.wait_dma2 semaphore(%arg41 : memref<!tpu.dma_semaphore, #tpu.memory_space<semaphore_mem>>) src(%arg16 : memref<64x128xf32, #tpu.memory_space<vmem>>) dst(%dma_wait3A_924 : memref<64x128xf32, #tpu.memory_space<hbm>>)
      %add3A_925 = arith.constant 11 : i32
      %add3A_926 = arith.addi %mul3A_553, %add3A_925 : i32
      %add3A_927 = arith.constant 12 : i32
      %add3A_928 = arith.addi %add3A_926, %add3A_927 : i32
      %sub3A_929 = arith.constant 1 : i32
      %sub3A_930 = arith.subi %add3A_928, %sub3A_929 : i32
      %mul3A_931 = arith.constant 64 : i32
      %mul3A_932 = arith.muli %sub3A_930, %mul3A_931 : i32
      %dma_start3A_933 = tpu.memref_slice %arg5[%mul3A_932] : memref<3128xi32, #tpu.memory_space<vmem>> -> memref<64xi32, #tpu.memory_space<vmem>>
      %dma_start3A_934 = arith.constant 0 : i32
      %dma_start3A_935 = arith.constant 0 : i32
      %dma_start3A_936 = tpu.memref_slice %arg3[%dma_start3A_934, %dma_start3A_935] : memref<100000x128xf32, #tpu.memory_space<hbm>> -> memref<100000x128xf32, #tpu.memory_space<hbm>>
      tpu.enqueue_indirect_dma source(%dma_start3A_936 : memref<100000x128xf32, #tpu.memory_space<hbm>>) target(%arg16 : memref<64x128xf32, #tpu.memory_space<vmem>>) offsets(%dma_start3A_933 : memref<64xi32, #tpu.memory_space<vmem>>) semaphore(%arg29 : memref<!tpu.dma_semaphore, #tpu.memory_space<semaphore_mem>>)
    }
    %scan3A_333 = arith.constant 2 : i32
    %dma_wait3A_334 = arith.constant 0 : i32
    %dma_wait3A_335 = tpu.memref_slice %arg5[%dma_wait3A_334] : memref<3128xi32, #tpu.memory_space<vmem>> -> memref<64xi32, #tpu.memory_space<vmem>>
    %dma_wait3A_336 = arith.constant 0 : i32
    %dma_wait3A_337 = arith.constant 0 : i32
    %dma_wait3A_338 = tpu.memref_slice %arg3[%dma_wait3A_336, %dma_wait3A_337] : memref<100000x128xf32, #tpu.memory_space<hbm>> -> memref<100000x128xf32, #tpu.memory_space<hbm>>
    tpu.wait_indirect_dma semaphore(%arg19 : memref<!tpu.dma_semaphore, #tpu.memory_space<semaphore_mem>>) src(%dma_wait3A_338 : memref<100000x128xf32, #tpu.memory_space<hbm>>) dst(%arg6 : memref<64x128xf32, #tpu.memory_space<vmem>>)
    %add3A_339 = arith.constant 2304 : i32
    %add3A_340 = arith.addi %mul3A_2, %add3A_339 : i32
    %dma_start3A_341 = arith.constant 0 : i32
    %dma_start3A_342 = tpu.memref_slice %arg4[%add3A_340, %dma_start3A_341] : memref<100000x128xf32, #tpu.memory_space<hbm>> -> memref<64x128xf32, #tpu.memory_space<hbm>>
    %dma_start3A_343 = arith.constant 0 : i32
    %dma_start3A_344 = tpu.memref_slice %arg4[%add3A_340, %dma_start3A_343] : memref<100000x128xf32, #tpu.memory_space<hbm>> -> memref<64x128xf32, #tpu.memory_space<hbm>>
    tpu.enqueue_dma source(%arg6 : memref<64x128xf32, #tpu.memory_space<vmem>>) target(%dma_start3A_344 : memref<64x128xf32, #tpu.memory_space<hbm>>) target_semaphore(%arg31 : memref<!tpu.dma_semaphore, #tpu.memory_space<semaphore_mem>>)
    %dma_wait3A_345 = arith.constant 0 : i32
    %dma_wait3A_346 = arith.constant 0 : i32
    %dma_wait3A_347 = tpu.memref_slice %arg4[%dma_wait3A_345, %dma_wait3A_346] : memref<100000x128xf32, #tpu.memory_space<hbm>> -> memref<64x128xf32, #tpu.memory_space<hbm>>
    %dma_wait3A_348 = arith.constant 0 : i32
    %dma_wait3A_349 = arith.constant 0 : i32
    %dma_wait3A_350 = tpu.memref_slice %arg4[%dma_wait3A_348, %dma_wait3A_349] : memref<100000x128xf32, #tpu.memory_space<hbm>> -> memref<64x128xf32, #tpu.memory_space<hbm>>
    tpu.wait_dma2 semaphore(%arg42 : memref<!tpu.dma_semaphore, #tpu.memory_space<semaphore_mem>>) src(%arg17 : memref<64x128xf32, #tpu.memory_space<vmem>>) dst(%dma_wait3A_350 : memref<64x128xf32, #tpu.memory_space<hbm>>)
    %lt3A_351 = arith.constant 31 : i32
    %lt3A_352 = arith.cmpi slt, %add3A, %lt3A_351 : i32
    %convert_element_type3A_353 = arith.extui %lt3A_352 : i1 to i32
    %cond3A_354 = arith.constant 0 : i32
    %cond3A_355 = arith.cmpi ne, %convert_element_type3A_353, %cond3A_354 : i32
    scf.if %cond3A_355 {
      %dma_start3A_547 = arith.constant 3008 : i32
      %dma_start3A_548 = tpu.memref_slice %arg5[%dma_start3A_547] : memref<3128xi32, #tpu.memory_space<vmem>> -> memref<64xi32, #tpu.memory_space<vmem>>
      %dma_start3A_549 = arith.constant 0 : i32
      %dma_start3A_550 = arith.constant 0 : i32
      %dma_start3A_551 = tpu.memref_slice %arg3[%dma_start3A_549, %dma_start3A_550] : memref<100000x128xf32, #tpu.memory_space<hbm>> -> memref<100000x128xf32, #tpu.memory_space<hbm>>
      tpu.enqueue_indirect_dma source(%dma_start3A_551 : memref<100000x128xf32, #tpu.memory_space<hbm>>) target(%arg17 : memref<64x128xf32, #tpu.memory_space<vmem>>) offsets(%dma_start3A_548 : memref<64xi32, #tpu.memory_space<vmem>>) semaphore(%arg30 : memref<!tpu.dma_semaphore, #tpu.memory_space<semaphore_mem>>)
    } else {
    }
    %dma_wait3A_356 = arith.constant 0 : i32
    %dma_wait3A_357 = tpu.memref_slice %arg5[%dma_wait3A_356] : memref<3128xi32, #tpu.memory_space<vmem>> -> memref<64xi32, #tpu.memory_space<vmem>>
    %dma_wait3A_358 = arith.constant 0 : i32
    %dma_wait3A_359 = arith.constant 0 : i32
    %dma_wait3A_360 = tpu.memref_slice %arg3[%dma_wait3A_358, %dma_wait3A_359] : memref<100000x128xf32, #tpu.memory_space<hbm>> -> memref<100000x128xf32, #tpu.memory_space<hbm>>
    tpu.wait_indirect_dma semaphore(%arg20 : memref<!tpu.dma_semaphore, #tpu.memory_space<semaphore_mem>>) src(%dma_wait3A_360 : memref<100000x128xf32, #tpu.memory_space<hbm>>) dst(%arg7 : memref<64x128xf32, #tpu.memory_space<vmem>>)
    %add3A_361 = arith.constant 2368 : i32
    %add3A_362 = arith.addi %mul3A_2, %add3A_361 : i32
    %dma_start3A_363 = arith.constant 0 : i32
    %dma_start3A_364 = tpu.memref_slice %arg4[%add3A_362, %dma_start3A_363] : memref<100000x128xf32, #tpu.memory_space<hbm>> -> memref<64x128xf32, #tpu.memory_space<hbm>>
    %dma_start3A_365 = arith.constant 0 : i32
    %dma_start3A_366 = tpu.memref_slice %arg4[%add3A_362, %dma_start3A_365] : memref<100000x128xf32, #tpu.memory_space<hbm>> -> memref<64x128xf32, #tpu.memory_space<hbm>>
    tpu.enqueue_dma source(%arg7 : memref<64x128xf32, #tpu.memory_space<vmem>>) target(%dma_start3A_366 : memref<64x128xf32, #tpu.memory_space<hbm>>) target_semaphore(%arg32 : memref<!tpu.dma_semaphore, #tpu.memory_space<semaphore_mem>>)
    %dma_wait3A_367 = arith.constant 0 : i32
    %dma_wait3A_368 = tpu.memref_slice %arg5[%dma_wait3A_367] : memref<3128xi32, #tpu.memory_space<vmem>> -> memref<64xi32, #tpu.memory_space<vmem>>
    %dma_wait3A_369 = arith.constant 0 : i32
    %dma_wait3A_370 = arith.constant 0 : i32
    %dma_wait3A_371 = tpu.memref_slice %arg3[%dma_wait3A_369, %dma_wait3A_370] : memref<100000x128xf32, #tpu.memory_space<hbm>> -> memref<100000x128xf32, #tpu.memory_space<hbm>>
    tpu.wait_indirect_dma semaphore(%arg21 : memref<!tpu.dma_semaphore, #tpu.memory_space<semaphore_mem>>) src(%dma_wait3A_371 : memref<100000x128xf32, #tpu.memory_space<hbm>>) dst(%arg8 : memref<64x128xf32, #tpu.memory_space<vmem>>)
    %add3A_372 = arith.constant 2432 : i32
    %add3A_373 = arith.addi %mul3A_2, %add3A_372 : i32
    %dma_start3A_374 = arith.constant 0 : i32
    %dma_start3A_375 = tpu.memref_slice %arg4[%add3A_373, %dma_start3A_374] : memref<100000x128xf32, #tpu.memory_space<hbm>> -> memref<64x128xf32, #tpu.memory_space<hbm>>
    %dma_start3A_376 = arith.constant 0 : i32
    %dma_start3A_377 = tpu.memref_slice %arg4[%add3A_373, %dma_start3A_376] : memref<100000x128xf32, #tpu.memory_space<hbm>> -> memref<64x128xf32, #tpu.memory_space<hbm>>
    tpu.enqueue_dma source(%arg8 : memref<64x128xf32, #tpu.memory_space<vmem>>) target(%dma_start3A_377 : memref<64x128xf32, #tpu.memory_space<hbm>>) target_semaphore(%arg33 : memref<!tpu.dma_semaphore, #tpu.memory_space<semaphore_mem>>)
    %dma_wait3A_378 = arith.constant 0 : i32
    %dma_wait3A_379 = tpu.memref_slice %arg5[%dma_wait3A_378] : memref<3128xi32, #tpu.memory_space<vmem>> -> memref<64xi32, #tpu.memory_space<vmem>>
    %dma_wait3A_380 = arith.constant 0 : i32
    %dma_wait3A_381 = arith.constant 0 : i32
    %dma_wait3A_382 = tpu.memref_slice %arg3[%dma_wait3A_380, %dma_wait3A_381] : memref<100000x128xf32, #tpu.memory_space<hbm>> -> memref<100000x128xf32, #tpu.memory_space<hbm>>
    tpu.wait_indirect_dma semaphore(%arg22 : memref<!tpu.dma_semaphore, #tpu.memory_space<semaphore_mem>>) src(%dma_wait3A_382 : memref<100000x128xf32, #tpu.memory_space<hbm>>) dst(%arg9 : memref<64x128xf32, #tpu.memory_space<vmem>>)
    %add3A_383 = arith.constant 2496 : i32
    %add3A_384 = arith.addi %mul3A_2, %add3A_383 : i32
    %dma_start3A_385 = arith.constant 0 : i32
    %dma_start3A_386 = tpu.memref_slice %arg4[%add3A_384, %dma_start3A_385] : memref<100000x128xf32, #tpu.memory_space<hbm>> -> memref<64x128xf32, #tpu.memory_space<hbm>>
    %dma_start3A_387 = arith.constant 0 : i32
    %dma_start3A_388 = tpu.memref_slice %arg4[%add3A_384, %dma_start3A_387] : memref<100000x128xf32, #tpu.memory_space<hbm>> -> memref<64x128xf32, #tpu.memory_space<hbm>>
    tpu.enqueue_dma source(%arg9 : memref<64x128xf32, #tpu.memory_space<vmem>>) target(%dma_start3A_388 : memref<64x128xf32, #tpu.memory_space<hbm>>) target_semaphore(%arg34 : memref<!tpu.dma_semaphore, #tpu.memory_space<semaphore_mem>>)
    %dma_wait3A_389 = arith.constant 0 : i32
    %dma_wait3A_390 = tpu.memref_slice %arg5[%dma_wait3A_389] : memref<3128xi32, #tpu.memory_space<vmem>> -> memref<64xi32, #tpu.memory_space<vmem>>
    %dma_wait3A_391 = arith.constant 0 : i32
    %dma_wait3A_392 = arith.constant 0 : i32
    %dma_wait3A_393 = tpu.memref_slice %arg3[%dma_wait3A_391, %dma_wait3A_392] : memref<100000x128xf32, #tpu.memory_space<hbm>> -> memref<100000x128xf32, #tpu.memory_space<hbm>>
    tpu.wait_indirect_dma semaphore(%arg23 : memref<!tpu.dma_semaphore, #tpu.memory_space<semaphore_mem>>) src(%dma_wait3A_393 : memref<100000x128xf32, #tpu.memory_space<hbm>>) dst(%arg10 : memref<64x128xf32, #tpu.memory_space<vmem>>)
    %add3A_394 = arith.constant 2560 : i32
    %add3A_395 = arith.addi %mul3A_2, %add3A_394 : i32
    %dma_start3A_396 = arith.constant 0 : i32
    %dma_start3A_397 = tpu.memref_slice %arg4[%add3A_395, %dma_start3A_396] : memref<100000x128xf32, #tpu.memory_space<hbm>> -> memref<64x128xf32, #tpu.memory_space<hbm>>
    %dma_start3A_398 = arith.constant 0 : i32
    %dma_start3A_399 = tpu.memref_slice %arg4[%add3A_395, %dma_start3A_398] : memref<100000x128xf32, #tpu.memory_space<hbm>> -> memref<64x128xf32, #tpu.memory_space<hbm>>
    tpu.enqueue_dma source(%arg10 : memref<64x128xf32, #tpu.memory_space<vmem>>) target(%dma_start3A_399 : memref<64x128xf32, #tpu.memory_space<hbm>>) target_semaphore(%arg35 : memref<!tpu.dma_semaphore, #tpu.memory_space<semaphore_mem>>)
    %dma_wait3A_400 = arith.constant 0 : i32
    %dma_wait3A_401 = tpu.memref_slice %arg5[%dma_wait3A_400] : memref<3128xi32, #tpu.memory_space<vmem>> -> memref<64xi32, #tpu.memory_space<vmem>>
    %dma_wait3A_402 = arith.constant 0 : i32
    %dma_wait3A_403 = arith.constant 0 : i32
    %dma_wait3A_404 = tpu.memref_slice %arg3[%dma_wait3A_402, %dma_wait3A_403] : memref<100000x128xf32, #tpu.memory_space<hbm>> -> memref<100000x128xf32, #tpu.memory_space<hbm>>
    tpu.wait_indirect_dma semaphore(%arg24 : memref<!tpu.dma_semaphore, #tpu.memory_space<semaphore_mem>>) src(%dma_wait3A_404 : memref<100000x128xf32, #tpu.memory_space<hbm>>) dst(%arg11 : memref<64x128xf32, #tpu.memory_space<vmem>>)
    %add3A_405 = arith.constant 2624 : i32
    %add3A_406 = arith.addi %mul3A_2, %add3A_405 : i32
    %dma_start3A_407 = arith.constant 0 : i32
    %dma_start3A_408 = tpu.memref_slice %arg4[%add3A_406, %dma_start3A_407] : memref<100000x128xf32, #tpu.memory_space<hbm>> -> memref<64x128xf32, #tpu.memory_space<hbm>>
    %dma_start3A_409 = arith.constant 0 : i32
    %dma_start3A_410 = tpu.memref_slice %arg4[%add3A_406, %dma_start3A_409] : memref<100000x128xf32, #tpu.memory_space<hbm>> -> memref<64x128xf32, #tpu.memory_space<hbm>>
    tpu.enqueue_dma source(%arg11 : memref<64x128xf32, #tpu.memory_space<vmem>>) target(%dma_start3A_410 : memref<64x128xf32, #tpu.memory_space<hbm>>) target_semaphore(%arg36 : memref<!tpu.dma_semaphore, #tpu.memory_space<semaphore_mem>>)
    %dma_wait3A_411 = arith.constant 0 : i32
    %dma_wait3A_412 = tpu.memref_slice %arg5[%dma_wait3A_411] : memref<3128xi32, #tpu.memory_space<vmem>> -> memref<64xi32, #tpu.memory_space<vmem>>
    %dma_wait3A_413 = arith.constant 0 : i32
    %dma_wait3A_414 = arith.constant 0 : i32
    %dma_wait3A_415 = tpu.memref_slice %arg3[%dma_wait3A_413, %dma_wait3A_414] : memref<100000x128xf32, #tpu.memory_space<hbm>> -> memref<100000x128xf32, #tpu.memory_space<hbm>>
    tpu.wait_indirect_dma semaphore(%arg25 : memref<!tpu.dma_semaphore, #tpu.memory_space<semaphore_mem>>) src(%dma_wait3A_415 : memref<100000x128xf32, #tpu.memory_space<hbm>>) dst(%arg12 : memref<64x128xf32, #tpu.memory_space<vmem>>)
    %add3A_416 = arith.constant 2688 : i32
    %add3A_417 = arith.addi %mul3A_2, %add3A_416 : i32
    %dma_start3A_418 = arith.constant 0 : i32
    %dma_start3A_419 = tpu.memref_slice %arg4[%add3A_417, %dma_start3A_418] : memref<100000x128xf32, #tpu.memory_space<hbm>> -> memref<64x128xf32, #tpu.memory_space<hbm>>
    %dma_start3A_420 = arith.constant 0 : i32
    %dma_start3A_421 = tpu.memref_slice %arg4[%add3A_417, %dma_start3A_420] : memref<100000x128xf32, #tpu.memory_space<hbm>> -> memref<64x128xf32, #tpu.memory_space<hbm>>
    tpu.enqueue_dma source(%arg12 : memref<64x128xf32, #tpu.memory_space<vmem>>) target(%dma_start3A_421 : memref<64x128xf32, #tpu.memory_space<hbm>>) target_semaphore(%arg37 : memref<!tpu.dma_semaphore, #tpu.memory_space<semaphore_mem>>)
    %dma_wait3A_422 = arith.constant 0 : i32
    %dma_wait3A_423 = tpu.memref_slice %arg5[%dma_wait3A_422] : memref<3128xi32, #tpu.memory_space<vmem>> -> memref<64xi32, #tpu.memory_space<vmem>>
    %dma_wait3A_424 = arith.constant 0 : i32
    %dma_wait3A_425 = arith.constant 0 : i32
    %dma_wait3A_426 = tpu.memref_slice %arg3[%dma_wait3A_424, %dma_wait3A_425] : memref<100000x128xf32, #tpu.memory_space<hbm>> -> memref<100000x128xf32, #tpu.memory_space<hbm>>
    tpu.wait_indirect_dma semaphore(%arg26 : memref<!tpu.dma_semaphore, #tpu.memory_space<semaphore_mem>>) src(%dma_wait3A_426 : memref<100000x128xf32, #tpu.memory_space<hbm>>) dst(%arg13 : memref<64x128xf32, #tpu.memory_space<vmem>>)
    %add3A_427 = arith.constant 2752 : i32
    %add3A_428 = arith.addi %mul3A_2, %add3A_427 : i32
    %dma_start3A_429 = arith.constant 0 : i32
    %dma_start3A_430 = tpu.memref_slice %arg4[%add3A_428, %dma_start3A_429] : memref<100000x128xf32, #tpu.memory_space<hbm>> -> memref<64x128xf32, #tpu.memory_space<hbm>>
    %dma_start3A_431 = arith.constant 0 : i32
    %dma_start3A_432 = tpu.memref_slice %arg4[%add3A_428, %dma_start3A_431] : memref<100000x128xf32, #tpu.memory_space<hbm>> -> memref<64x128xf32, #tpu.memory_space<hbm>>
    tpu.enqueue_dma source(%arg13 : memref<64x128xf32, #tpu.memory_space<vmem>>) target(%dma_start3A_432 : memref<64x128xf32, #tpu.memory_space<hbm>>) target_semaphore(%arg38 : memref<!tpu.dma_semaphore, #tpu.memory_space<semaphore_mem>>)
    %dma_wait3A_433 = arith.constant 0 : i32
    %dma_wait3A_434 = tpu.memref_slice %arg5[%dma_wait3A_433] : memref<3128xi32, #tpu.memory_space<vmem>> -> memref<64xi32, #tpu.memory_space<vmem>>
    %dma_wait3A_435 = arith.constant 0 : i32
    %dma_wait3A_436 = arith.constant 0 : i32
    %dma_wait3A_437 = tpu.memref_slice %arg3[%dma_wait3A_435, %dma_wait3A_436] : memref<100000x128xf32, #tpu.memory_space<hbm>> -> memref<100000x128xf32, #tpu.memory_space<hbm>>
    tpu.wait_indirect_dma semaphore(%arg27 : memref<!tpu.dma_semaphore, #tpu.memory_space<semaphore_mem>>) src(%dma_wait3A_437 : memref<100000x128xf32, #tpu.memory_space<hbm>>) dst(%arg14 : memref<64x128xf32, #tpu.memory_space<vmem>>)
    %add3A_438 = arith.constant 2816 : i32
    %add3A_439 = arith.addi %mul3A_2, %add3A_438 : i32
    %dma_start3A_440 = arith.constant 0 : i32
    %dma_start3A_441 = tpu.memref_slice %arg4[%add3A_439, %dma_start3A_440] : memref<100000x128xf32, #tpu.memory_space<hbm>> -> memref<64x128xf32, #tpu.memory_space<hbm>>
    %dma_start3A_442 = arith.constant 0 : i32
    %dma_start3A_443 = tpu.memref_slice %arg4[%add3A_439, %dma_start3A_442] : memref<100000x128xf32, #tpu.memory_space<hbm>> -> memref<64x128xf32, #tpu.memory_space<hbm>>
    tpu.enqueue_dma source(%arg14 : memref<64x128xf32, #tpu.memory_space<vmem>>) target(%dma_start3A_443 : memref<64x128xf32, #tpu.memory_space<hbm>>) target_semaphore(%arg39 : memref<!tpu.dma_semaphore, #tpu.memory_space<semaphore_mem>>)
    %dma_wait3A_444 = arith.constant 0 : i32
    %dma_wait3A_445 = tpu.memref_slice %arg5[%dma_wait3A_444] : memref<3128xi32, #tpu.memory_space<vmem>> -> memref<64xi32, #tpu.memory_space<vmem>>
    %dma_wait3A_446 = arith.constant 0 : i32
    %dma_wait3A_447 = arith.constant 0 : i32
    %dma_wait3A_448 = tpu.memref_slice %arg3[%dma_wait3A_446, %dma_wait3A_447] : memref<100000x128xf32, #tpu.memory_space<hbm>> -> memref<100000x128xf32, #tpu.memory_space<hbm>>
    tpu.wait_indirect_dma semaphore(%arg28 : memref<!tpu.dma_semaphore, #tpu.memory_space<semaphore_mem>>) src(%dma_wait3A_448 : memref<100000x128xf32, #tpu.memory_space<hbm>>) dst(%arg15 : memref<64x128xf32, #tpu.memory_space<vmem>>)
    %add3A_449 = arith.constant 2880 : i32
    %add3A_450 = arith.addi %mul3A_2, %add3A_449 : i32
    %dma_start3A_451 = arith.constant 0 : i32
    %dma_start3A_452 = tpu.memref_slice %arg4[%add3A_450, %dma_start3A_451] : memref<100000x128xf32, #tpu.memory_space<hbm>> -> memref<64x128xf32, #tpu.memory_space<hbm>>
    %dma_start3A_453 = arith.constant 0 : i32
    %dma_start3A_454 = tpu.memref_slice %arg4[%add3A_450, %dma_start3A_453] : memref<100000x128xf32, #tpu.memory_space<hbm>> -> memref<64x128xf32, #tpu.memory_space<hbm>>
    tpu.enqueue_dma source(%arg15 : memref<64x128xf32, #tpu.memory_space<vmem>>) target(%dma_start3A_454 : memref<64x128xf32, #tpu.memory_space<hbm>>) target_semaphore(%arg40 : memref<!tpu.dma_semaphore, #tpu.memory_space<semaphore_mem>>)
    %dma_wait3A_455 = arith.constant 0 : i32
    %dma_wait3A_456 = tpu.memref_slice %arg5[%dma_wait3A_455] : memref<3128xi32, #tpu.memory_space<vmem>> -> memref<64xi32, #tpu.memory_space<vmem>>
    %dma_wait3A_457 = arith.constant 0 : i32
    %dma_wait3A_458 = arith.constant 0 : i32
    %dma_wait3A_459 = tpu.memref_slice %arg3[%dma_wait3A_457, %dma_wait3A_458] : memref<100000x128xf32, #tpu.memory_space<hbm>> -> memref<100000x128xf32, #tpu.memory_space<hbm>>
    tpu.wait_indirect_dma semaphore(%arg29 : memref<!tpu.dma_semaphore, #tpu.memory_space<semaphore_mem>>) src(%dma_wait3A_459 : memref<100000x128xf32, #tpu.memory_space<hbm>>) dst(%arg16 : memref<64x128xf32, #tpu.memory_space<vmem>>)
    %add3A_460 = arith.constant 2944 : i32
    %add3A_461 = arith.addi %mul3A_2, %add3A_460 : i32
    %dma_start3A_462 = arith.constant 0 : i32
    %dma_start3A_463 = tpu.memref_slice %arg4[%add3A_461, %dma_start3A_462] : memref<100000x128xf32, #tpu.memory_space<hbm>> -> memref<64x128xf32, #tpu.memory_space<hbm>>
    %dma_start3A_464 = arith.constant 0 : i32
    %dma_start3A_465 = tpu.memref_slice %arg4[%add3A_461, %dma_start3A_464] : memref<100000x128xf32, #tpu.memory_space<hbm>> -> memref<64x128xf32, #tpu.memory_space<hbm>>
    tpu.enqueue_dma source(%arg16 : memref<64x128xf32, #tpu.memory_space<vmem>>) target(%dma_start3A_465 : memref<64x128xf32, #tpu.memory_space<hbm>>) target_semaphore(%arg41 : memref<!tpu.dma_semaphore, #tpu.memory_space<semaphore_mem>>)
    %lt3A_466 = arith.constant 31 : i32
    %lt3A_467 = arith.cmpi slt, %add3A, %lt3A_466 : i32
    %convert_element_type3A_468 = arith.extui %lt3A_467 : i1 to i32
    %cond3A_469 = arith.constant 0 : i32
    %cond3A_470 = arith.cmpi ne, %convert_element_type3A_468, %cond3A_469 : i32
    scf.if %cond3A_470 {
      %dma_wait3A_547 = arith.constant 0 : i32
      %dma_wait3A_548 = tpu.memref_slice %arg5[%dma_wait3A_547] : memref<3128xi32, #tpu.memory_space<vmem>> -> memref<64xi32, #tpu.memory_space<vmem>>
      %dma_wait3A_549 = arith.constant 0 : i32
      %dma_wait3A_550 = arith.constant 0 : i32
      %dma_wait3A_551 = tpu.memref_slice %arg3[%dma_wait3A_549, %dma_wait3A_550] : memref<100000x128xf32, #tpu.memory_space<hbm>> -> memref<100000x128xf32, #tpu.memory_space<hbm>>
      tpu.wait_indirect_dma semaphore(%arg30 : memref<!tpu.dma_semaphore, #tpu.memory_space<semaphore_mem>>) src(%dma_wait3A_551 : memref<100000x128xf32, #tpu.memory_space<hbm>>) dst(%arg17 : memref<64x128xf32, #tpu.memory_space<vmem>>)
      %add3A_552 = arith.constant 3008 : i32
      %add3A_553 = arith.addi %mul3A_2, %add3A_552 : i32
      %dma_start3A_554 = arith.constant 0 : i32
      %dma_start3A_555 = tpu.memref_slice %arg4[%add3A_553, %dma_start3A_554] : memref<100000x128xf32, #tpu.memory_space<hbm>> -> memref<64x128xf32, #tpu.memory_space<hbm>>
      %dma_start3A_556 = arith.constant 0 : i32
      %dma_start3A_557 = tpu.memref_slice %arg4[%add3A_553, %dma_start3A_556] : memref<100000x128xf32, #tpu.memory_space<hbm>> -> memref<64x128xf32, #tpu.memory_space<hbm>>
      tpu.enqueue_dma source(%arg17 : memref<64x128xf32, #tpu.memory_space<vmem>>) target(%dma_start3A_557 : memref<64x128xf32, #tpu.memory_space<hbm>>) target_semaphore(%arg42 : memref<!tpu.dma_semaphore, #tpu.memory_space<semaphore_mem>>)
    } else {
    }
    %dma_wait3A_471 = arith.constant 0 : i32
    %dma_wait3A_472 = arith.constant 0 : i32
    %dma_wait3A_473 = tpu.memref_slice %arg4[%dma_wait3A_471, %dma_wait3A_472] : memref<100000x128xf32, #tpu.memory_space<hbm>> -> memref<64x128xf32, #tpu.memory_space<hbm>>
    %dma_wait3A_474 = arith.constant 0 : i32
    %dma_wait3A_475 = arith.constant 0 : i32
    %dma_wait3A_476 = tpu.memref_slice %arg4[%dma_wait3A_474, %dma_wait3A_475] : memref<100000x128xf32, #tpu.memory_space<hbm>> -> memref<64x128xf32, #tpu.memory_space<hbm>>
    tpu.wait_dma2 semaphore(%arg31 : memref<!tpu.dma_semaphore, #tpu.memory_space<semaphore_mem>>) src(%arg6 : memref<64x128xf32, #tpu.memory_space<vmem>>) dst(%dma_wait3A_476 : memref<64x128xf32, #tpu.memory_space<hbm>>)
    %dma_wait3A_477 = arith.constant 0 : i32
    %dma_wait3A_478 = arith.constant 0 : i32
    %dma_wait3A_479 = tpu.memref_slice %arg4[%dma_wait3A_477, %dma_wait3A_478] : memref<100000x128xf32, #tpu.memory_space<hbm>> -> memref<64x128xf32, #tpu.memory_space<hbm>>
    %dma_wait3A_480 = arith.constant 0 : i32
    %dma_wait3A_481 = arith.constant 0 : i32
    %dma_wait3A_482 = tpu.memref_slice %arg4[%dma_wait3A_480, %dma_wait3A_481] : memref<100000x128xf32, #tpu.memory_space<hbm>> -> memref<64x128xf32, #tpu.memory_space<hbm>>
    tpu.wait_dma2 semaphore(%arg32 : memref<!tpu.dma_semaphore, #tpu.memory_space<semaphore_mem>>) src(%arg7 : memref<64x128xf32, #tpu.memory_space<vmem>>) dst(%dma_wait3A_482 : memref<64x128xf32, #tpu.memory_space<hbm>>)
    %dma_wait3A_483 = arith.constant 0 : i32
    %dma_wait3A_484 = arith.constant 0 : i32
    %dma_wait3A_485 = tpu.memref_slice %arg4[%dma_wait3A_483, %dma_wait3A_484] : memref<100000x128xf32, #tpu.memory_space<hbm>> -> memref<64x128xf32, #tpu.memory_space<hbm>>
    %dma_wait3A_486 = arith.constant 0 : i32
    %dma_wait3A_487 = arith.constant 0 : i32
    %dma_wait3A_488 = tpu.memref_slice %arg4[%dma_wait3A_486, %dma_wait3A_487] : memref<100000x128xf32, #tpu.memory_space<hbm>> -> memref<64x128xf32, #tpu.memory_space<hbm>>
    tpu.wait_dma2 semaphore(%arg33 : memref<!tpu.dma_semaphore, #tpu.memory_space<semaphore_mem>>) src(%arg8 : memref<64x128xf32, #tpu.memory_space<vmem>>) dst(%dma_wait3A_488 : memref<64x128xf32, #tpu.memory_space<hbm>>)
    %dma_wait3A_489 = arith.constant 0 : i32
    %dma_wait3A_490 = arith.constant 0 : i32
    %dma_wait3A_491 = tpu.memref_slice %arg4[%dma_wait3A_489, %dma_wait3A_490] : memref<100000x128xf32, #tpu.memory_space<hbm>> -> memref<64x128xf32, #tpu.memory_space<hbm>>
    %dma_wait3A_492 = arith.constant 0 : i32
    %dma_wait3A_493 = arith.constant 0 : i32
    %dma_wait3A_494 = tpu.memref_slice %arg4[%dma_wait3A_492, %dma_wait3A_493] : memref<100000x128xf32, #tpu.memory_space<hbm>> -> memref<64x128xf32, #tpu.memory_space<hbm>>
    tpu.wait_dma2 semaphore(%arg34 : memref<!tpu.dma_semaphore, #tpu.memory_space<semaphore_mem>>) src(%arg9 : memref<64x128xf32, #tpu.memory_space<vmem>>) dst(%dma_wait3A_494 : memref<64x128xf32, #tpu.memory_space<hbm>>)
    %dma_wait3A_495 = arith.constant 0 : i32
    %dma_wait3A_496 = arith.constant 0 : i32
    %dma_wait3A_497 = tpu.memref_slice %arg4[%dma_wait3A_495, %dma_wait3A_496] : memref<100000x128xf32, #tpu.memory_space<hbm>> -> memref<64x128xf32, #tpu.memory_space<hbm>>
    %dma_wait3A_498 = arith.constant 0 : i32
    %dma_wait3A_499 = arith.constant 0 : i32
    %dma_wait3A_500 = tpu.memref_slice %arg4[%dma_wait3A_498, %dma_wait3A_499] : memref<100000x128xf32, #tpu.memory_space<hbm>> -> memref<64x128xf32, #tpu.memory_space<hbm>>
    tpu.wait_dma2 semaphore(%arg35 : memref<!tpu.dma_semaphore, #tpu.memory_space<semaphore_mem>>) src(%arg10 : memref<64x128xf32, #tpu.memory_space<vmem>>) dst(%dma_wait3A_500 : memref<64x128xf32, #tpu.memory_space<hbm>>)
    %dma_wait3A_501 = arith.constant 0 : i32
    %dma_wait3A_502 = arith.constant 0 : i32
    %dma_wait3A_503 = tpu.memref_slice %arg4[%dma_wait3A_501, %dma_wait3A_502] : memref<100000x128xf32, #tpu.memory_space<hbm>> -> memref<64x128xf32, #tpu.memory_space<hbm>>
    %dma_wait3A_504 = arith.constant 0 : i32
    %dma_wait3A_505 = arith.constant 0 : i32
    %dma_wait3A_506 = tpu.memref_slice %arg4[%dma_wait3A_504, %dma_wait3A_505] : memref<100000x128xf32, #tpu.memory_space<hbm>> -> memref<64x128xf32, #tpu.memory_space<hbm>>
    tpu.wait_dma2 semaphore(%arg36 : memref<!tpu.dma_semaphore, #tpu.memory_space<semaphore_mem>>) src(%arg11 : memref<64x128xf32, #tpu.memory_space<vmem>>) dst(%dma_wait3A_506 : memref<64x128xf32, #tpu.memory_space<hbm>>)
    %dma_wait3A_507 = arith.constant 0 : i32
    %dma_wait3A_508 = arith.constant 0 : i32
    %dma_wait3A_509 = tpu.memref_slice %arg4[%dma_wait3A_507, %dma_wait3A_508] : memref<100000x128xf32, #tpu.memory_space<hbm>> -> memref<64x128xf32, #tpu.memory_space<hbm>>
    %dma_wait3A_510 = arith.constant 0 : i32
    %dma_wait3A_511 = arith.constant 0 : i32
    %dma_wait3A_512 = tpu.memref_slice %arg4[%dma_wait3A_510, %dma_wait3A_511] : memref<100000x128xf32, #tpu.memory_space<hbm>> -> memref<64x128xf32, #tpu.memory_space<hbm>>
    tpu.wait_dma2 semaphore(%arg37 : memref<!tpu.dma_semaphore, #tpu.memory_space<semaphore_mem>>) src(%arg12 : memref<64x128xf32, #tpu.memory_space<vmem>>) dst(%dma_wait3A_512 : memref<64x128xf32, #tpu.memory_space<hbm>>)
    %dma_wait3A_513 = arith.constant 0 : i32
    %dma_wait3A_514 = arith.constant 0 : i32
    %dma_wait3A_515 = tpu.memref_slice %arg4[%dma_wait3A_513, %dma_wait3A_514] : memref<100000x128xf32, #tpu.memory_space<hbm>> -> memref<64x128xf32, #tpu.memory_space<hbm>>
    %dma_wait3A_516 = arith.constant 0 : i32
    %dma_wait3A_517 = arith.constant 0 : i32
    %dma_wait3A_518 = tpu.memref_slice %arg4[%dma_wait3A_516, %dma_wait3A_517] : memref<100000x128xf32, #tpu.memory_space<hbm>> -> memref<64x128xf32, #tpu.memory_space<hbm>>
    tpu.wait_dma2 semaphore(%arg38 : memref<!tpu.dma_semaphore, #tpu.memory_space<semaphore_mem>>) src(%arg13 : memref<64x128xf32, #tpu.memory_space<vmem>>) dst(%dma_wait3A_518 : memref<64x128xf32, #tpu.memory_space<hbm>>)
    %dma_wait3A_519 = arith.constant 0 : i32
    %dma_wait3A_520 = arith.constant 0 : i32
    %dma_wait3A_521 = tpu.memref_slice %arg4[%dma_wait3A_519, %dma_wait3A_520] : memref<100000x128xf32, #tpu.memory_space<hbm>> -> memref<64x128xf32, #tpu.memory_space<hbm>>
    %dma_wait3A_522 = arith.constant 0 : i32
    %dma_wait3A_523 = arith.constant 0 : i32
    %dma_wait3A_524 = tpu.memref_slice %arg4[%dma_wait3A_522, %dma_wait3A_523] : memref<100000x128xf32, #tpu.memory_space<hbm>> -> memref<64x128xf32, #tpu.memory_space<hbm>>
    tpu.wait_dma2 semaphore(%arg39 : memref<!tpu.dma_semaphore, #tpu.memory_space<semaphore_mem>>) src(%arg14 : memref<64x128xf32, #tpu.memory_space<vmem>>) dst(%dma_wait3A_524 : memref<64x128xf32, #tpu.memory_space<hbm>>)
    %dma_wait3A_525 = arith.constant 0 : i32
    %dma_wait3A_526 = arith.constant 0 : i32
    %dma_wait3A_527 = tpu.memref_slice %arg4[%dma_wait3A_525, %dma_wait3A_526] : memref<100000x128xf32, #tpu.memory_space<hbm>> -> memref<64x128xf32, #tpu.memory_space<hbm>>
    %dma_wait3A_528 = arith.constant 0 : i32
    %dma_wait3A_529 = arith.constant 0 : i32
    %dma_wait3A_530 = tpu.memref_slice %arg4[%dma_wait3A_528, %dma_wait3A_529] : memref<100000x128xf32, #tpu.memory_space<hbm>> -> memref<64x128xf32, #tpu.memory_space<hbm>>
    tpu.wait_dma2 semaphore(%arg40 : memref<!tpu.dma_semaphore, #tpu.memory_space<semaphore_mem>>) src(%arg15 : memref<64x128xf32, #tpu.memory_space<vmem>>) dst(%dma_wait3A_530 : memref<64x128xf32, #tpu.memory_space<hbm>>)
    %dma_wait3A_531 = arith.constant 0 : i32
    %dma_wait3A_532 = arith.constant 0 : i32
    %dma_wait3A_533 = tpu.memref_slice %arg4[%dma_wait3A_531, %dma_wait3A_532] : memref<100000x128xf32, #tpu.memory_space<hbm>> -> memref<64x128xf32, #tpu.memory_space<hbm>>
    %dma_wait3A_534 = arith.constant 0 : i32
    %dma_wait3A_535 = arith.constant 0 : i32
    %dma_wait3A_536 = tpu.memref_slice %arg4[%dma_wait3A_534, %dma_wait3A_535] : memref<100000x128xf32, #tpu.memory_space<hbm>> -> memref<64x128xf32, #tpu.memory_space<hbm>>
    tpu.wait_dma2 semaphore(%arg41 : memref<!tpu.dma_semaphore, #tpu.memory_space<semaphore_mem>>) src(%arg16 : memref<64x128xf32, #tpu.memory_space<vmem>>) dst(%dma_wait3A_536 : memref<64x128xf32, #tpu.memory_space<hbm>>)
    %lt3A_537 = arith.constant 31 : i32
    %lt3A_538 = arith.cmpi slt, %add3A, %lt3A_537 : i32
    %convert_element_type3A_539 = arith.extui %lt3A_538 : i1 to i32
    %cond3A_540 = arith.constant 0 : i32
    %cond3A_541 = arith.cmpi ne, %convert_element_type3A_539, %cond3A_540 : i32
    scf.if %cond3A_541 {
      %dma_wait3A_547 = arith.constant 0 : i32
      %dma_wait3A_548 = arith.constant 0 : i32
      %dma_wait3A_549 = tpu.memref_slice %arg4[%dma_wait3A_547, %dma_wait3A_548] : memref<100000x128xf32, #tpu.memory_space<hbm>> -> memref<64x128xf32, #tpu.memory_space<hbm>>
      %dma_wait3A_550 = arith.constant 0 : i32
      %dma_wait3A_551 = arith.constant 0 : i32
      %dma_wait3A_552 = tpu.memref_slice %arg4[%dma_wait3A_550, %dma_wait3A_551] : memref<100000x128xf32, #tpu.memory_space<hbm>> -> memref<64x128xf32, #tpu.memory_space<hbm>>
      tpu.wait_dma2 semaphore(%arg42 : memref<!tpu.dma_semaphore, #tpu.memory_space<semaphore_mem>>) src(%arg17 : memref<64x128xf32, #tpu.memory_space<vmem>>) dst(%dma_wait3A_552 : memref<64x128xf32, #tpu.memory_space<hbm>>)
      %dma_wait3A_553 = arith.constant 0 : i32
      %dma_wait3A_554 = tpu.memref_slice %arg5[%dma_wait3A_553] : memref<3128xi32, #tpu.memory_space<vmem>> -> memref<56xi32, #tpu.memory_space<vmem>>
      %dma_wait3A_555 = arith.constant 0 : i32
      %dma_wait3A_556 = arith.constant 0 : i32
      %dma_wait3A_557 = tpu.memref_slice %arg3[%dma_wait3A_555, %dma_wait3A_556] : memref<100000x128xf32, #tpu.memory_space<hbm>> -> memref<100000x128xf32, #tpu.memory_space<hbm>>
      tpu.wait_indirect_dma semaphore(%arg43 : memref<!tpu.dma_semaphore, #tpu.memory_space<semaphore_mem>>) src(%dma_wait3A_557 : memref<100000x128xf32, #tpu.memory_space<hbm>>) dst(%arg18 : memref<56x128xf32, #tpu.memory_space<vmem>>)
      %add3A_558 = arith.constant 3072 : i32
      %add3A_559 = arith.addi %mul3A_2, %add3A_558 : i32
      %dma_start3A_560 = arith.constant 0 : i32
      %dma_start3A_561 = tpu.memref_slice %arg4[%add3A_559, %dma_start3A_560] : memref<100000x128xf32, #tpu.memory_space<hbm>> -> memref<56x128xf32, #tpu.memory_space<hbm>>
      %dma_start3A_562 = arith.constant 0 : i32
      %dma_start3A_563 = tpu.memref_slice %arg4[%add3A_559, %dma_start3A_562] : memref<100000x128xf32, #tpu.memory_space<hbm>> -> memref<56x128xf32, #tpu.memory_space<hbm>>
      tpu.enqueue_dma source(%arg18 : memref<56x128xf32, #tpu.memory_space<vmem>>) target(%dma_start3A_563 : memref<56x128xf32, #tpu.memory_space<hbm>>) target_semaphore(%arg44 : memref<!tpu.dma_semaphore, #tpu.memory_space<semaphore_mem>>)
      %dma_wait3A_564 = arith.constant 0 : i32
      %dma_wait3A_565 = arith.constant 0 : i32
      %dma_wait3A_566 = tpu.memref_slice %arg4[%dma_wait3A_564, %dma_wait3A_565] : memref<100000x128xf32, #tpu.memory_space<hbm>> -> memref<56x128xf32, #tpu.memory_space<hbm>>
      %dma_wait3A_567 = arith.constant 0 : i32
      %dma_wait3A_568 = arith.constant 0 : i32
      %dma_wait3A_569 = tpu.memref_slice %arg4[%dma_wait3A_567, %dma_wait3A_568] : memref<100000x128xf32, #tpu.memory_space<hbm>> -> memref<56x128xf32, #tpu.memory_space<hbm>>
      tpu.wait_dma2 semaphore(%arg44 : memref<!tpu.dma_semaphore, #tpu.memory_space<semaphore_mem>>) src(%arg18 : memref<56x128xf32, #tpu.memory_space<vmem>>) dst(%dma_wait3A_569 : memref<56x128xf32, #tpu.memory_space<hbm>>)
    } else {
    }
    %eq3A_542 = arith.constant 31 : i32
    %eq3A_543 = arith.cmpi eq, %add3A, %eq3A_542 : i32
    %convert_element_type3A_544 = arith.extui %eq3A_543 : i1 to i32
    %cond3A_545 = arith.constant 0 : i32
    %cond3A_546 = arith.cmpi ne, %convert_element_type3A_544, %cond3A_545 : i32
    scf.if %cond3A_546 {
      %dma_wait3A_547 = arith.constant 0 : i32
      %dma_wait3A_548 = arith.constant 0 : i32
      %dma_wait3A_549 = tpu.memref_slice %arg18[%dma_wait3A_547, %dma_wait3A_548] : memref<56x128xf32, #tpu.memory_space<vmem>> -> memref<24x128xf32, #tpu.memory_space<vmem>>
      %dma_wait3A_550 = arith.constant 0 : i32
      %dma_wait3A_551 = tpu.memref_slice %arg5[%dma_wait3A_550] : memref<3128xi32, #tpu.memory_space<vmem>> -> memref<24xi32, #tpu.memory_space<vmem>>
      %dma_wait3A_552 = arith.constant 0 : i32
      %dma_wait3A_553 = arith.constant 0 : i32
      %dma_wait3A_554 = tpu.memref_slice %arg3[%dma_wait3A_552, %dma_wait3A_553] : memref<100000x128xf32, #tpu.memory_space<hbm>> -> memref<100000x128xf32, #tpu.memory_space<hbm>>
      tpu.wait_indirect_dma semaphore(%arg43 : memref<!tpu.dma_semaphore, #tpu.memory_space<semaphore_mem>>) src(%dma_wait3A_554 : memref<100000x128xf32, #tpu.memory_space<hbm>>) dst(%dma_wait3A_549 : memref<24x128xf32, #tpu.memory_space<vmem>>)
      %add3A_555 = arith.constant 3008 : i32
      %add3A_556 = arith.addi %mul3A_2, %add3A_555 : i32
      %dma_start3A_557 = arith.constant 0 : i32
      %dma_start3A_558 = arith.constant 0 : i32
      %dma_start3A_559 = tpu.memref_slice %arg18[%dma_start3A_557, %dma_start3A_558] : memref<56x128xf32, #tpu.memory_space<vmem>> -> memref<24x128xf32, #tpu.memory_space<vmem>>
      %dma_start3A_560 = arith.constant 0 : i32
      %dma_start3A_561 = tpu.memref_slice %arg4[%add3A_556, %dma_start3A_560] : memref<100000x128xf32, #tpu.memory_space<hbm>> -> memref<24x128xf32, #tpu.memory_space<hbm>>
      %dma_start3A_562 = arith.constant 0 : i32
      %dma_start3A_563 = tpu.memref_slice %arg4[%add3A_556, %dma_start3A_562] : memref<100000x128xf32, #tpu.memory_space<hbm>> -> memref<24x128xf32, #tpu.memory_space<hbm>>
      %dma_start3A_564 = arith.constant 0 : i32
      %dma_start3A_565 = arith.constant 0 : i32
      %dma_start3A_566 = tpu.memref_slice %arg18[%dma_start3A_564, %dma_start3A_565] : memref<56x128xf32, #tpu.memory_space<vmem>> -> memref<24x128xf32, #tpu.memory_space<vmem>>
      tpu.enqueue_dma source(%dma_start3A_566 : memref<24x128xf32, #tpu.memory_space<vmem>>) target(%dma_start3A_563 : memref<24x128xf32, #tpu.memory_space<hbm>>) target_semaphore(%arg44 : memref<!tpu.dma_semaphore, #tpu.memory_space<semaphore_mem>>)
      %dma_wait3A_567 = arith.constant 0 : i32
      %dma_wait3A_568 = arith.constant 0 : i32
      %dma_wait3A_569 = tpu.memref_slice %arg18[%dma_wait3A_567, %dma_wait3A_568] : memref<56x128xf32, #tpu.memory_space<vmem>> -> memref<24x128xf32, #tpu.memory_space<vmem>>
      %dma_wait3A_570 = arith.constant 0 : i32
      %dma_wait3A_571 = arith.constant 0 : i32
      %dma_wait3A_572 = tpu.memref_slice %arg4[%dma_wait3A_570, %dma_wait3A_571] : memref<100000x128xf32, #tpu.memory_space<hbm>> -> memref<24x128xf32, #tpu.memory_space<hbm>>
      %dma_wait3A_573 = arith.constant 0 : i32
      %dma_wait3A_574 = arith.constant 0 : i32
      %dma_wait3A_575 = tpu.memref_slice %arg4[%dma_wait3A_573, %dma_wait3A_574] : memref<100000x128xf32, #tpu.memory_space<hbm>> -> memref<24x128xf32, #tpu.memory_space<hbm>>
      %dma_wait3A_576 = arith.constant 0 : i32
      %dma_wait3A_577 = arith.constant 0 : i32
      %dma_wait3A_578 = tpu.memref_slice %arg18[%dma_wait3A_576, %dma_wait3A_577] : memref<56x128xf32, #tpu.memory_space<vmem>> -> memref<24x128xf32, #tpu.memory_space<vmem>>
      tpu.wait_dma2 semaphore(%arg44 : memref<!tpu.dma_semaphore, #tpu.memory_space<semaphore_mem>>) src(%dma_wait3A_578 : memref<24x128xf32, #tpu.memory_space<vmem>>) dst(%dma_wait3A_575 : memref<24x128xf32, #tpu.memory_space<hbm>>)
    } else {
    }
    return
  }
}

</mosaic_0001>

<sc_bundles>
// kernel: kernel.3.cloned.1.call-start
scs
__scs_entry_jumppad:
0x0: {  	(pc) =	sbr.rel $0x88, $3  }
0x1: {  	(tag) =	ssettag $0x0;
	lr =	simm.s32 $0x1  }
0x2: {  	[smem:$0x3F9F] =	sst lr;
	_ =	strace $0xD0000000  }
0x3: {  	_ = 	snop  }
0x4: {  	_ = 	snop  }
0x5: {  	_ = 	snop  }
0x6: {  	_ = 	snop  }
0x7: {  	_ = 	snop  }
__scs_overlays_trampoline_lowered:
0x8: {  	[smem:$0x3FAE] =	sst s0  }
0x9: {  	[smem:$0x3FAF] =	sst s1  }
0xa: {  	[smem:$0x3FB0] =	sst s2  }
0xb: {  	[smem:$0x3FB1] =	sst s3  }
0xc: {  	[smem:$0x3FB2] =	sst s4  }
0xd: {  	[smem:$0x3FB3] =	sst s5  }
0xe: {  	[smem:$0x3FB4] =	sst s6  }
0xf: {  	[smem:$0x3FB5] =	sst s7  }
0x10: {  	[smem:$0x3FB6] =	sst s8  }
0x11: {  	[smem:$0x3FB7] =	sst s9;
	s0 =	simm.s32 @!p0 $0x0  }
0x12: {  	s1 =	sld [smem:$0x3F9D];
	s0 =	simm.s32 @p0 $0x1  }
0x13: {  	[smem:$0x3FB8] =	sst s0;
	s0 =	simm.s32 @!p1 $0x0  }
0x14: {  	s2 =	sld [smem:$0x3F9C];
	s0 =	simm.s32 @p1 $0x1  }
0x15: {  	[smem:$0x3FB9] =	sst s0;
	s0 =	simm.s32 @!p2 $0x0  }
0x16: {  	s3 =	sld [smem:$0x3FDB];
	s0 =	simm.s32 @p2 $0x1  }
0x17: {  	s4 =	simm.s32 $0x1BF5;
	[smem:$0x3FBB] =	sst s0  }
0x18: {  	s0 =	sld [smem:$0x3F9E];
	_ =	swait.ge [sflag:s4], $0x0  }
0x19: {  	s7 =	sld [smem:$0x3F9F]  }
0x1a: {  	s8 =	sadd.s32 $0xFFFFE003, lr  }
0x1b: {  	s9 =	sadd.s32 $0xFFFFFEF7, lr;
	s5 =	simm.s32 $0xFFFFFFFF;
	p2 =	slt.u32 s8, $0xFFFFF086  }
0x1c: {  	p1 =	slt.u32 s9, $0xF7A;
	s5 =	simm.s32 @!p2 $0x0  }
0x1d: {  	s5 =	simm.s32 @p1 $0x1;
	p0 =	seq.s32 s7, s2  }
0x1e: {  	s7 =	smul.u32 @!p0 $0xF7A, s2;
	p2 =	seq.s32 @!p0 s5, $0x0  }
0x1f: {  	s9 =	smul.u32 $0xF7A, s1;
	s8 =	simm.s32 @!p0 $0x1BF5;
	p2 =	por !p2, p0  }
0x20: {  	[sflag:s8] =	ssyncset.s32 @!p0 $0xFFFFF086;
	s6 =	sadd.s32 @!p0 s3, s7;
	s7 =	simm.s32 @!p0 $0x108  }
0x21: {  	s3 =	sadd.s32 s3, s9;
	s6 =	sadd.s32 @!p0 $0x88, s6;
	s7 =	simm.s32 @p2 $0x1082  }
0x22: {  	[simem:s7], [sflag:s8] =	dma.local @!p0 [hbm:s6], $0xF7A  }
0x23: {  	s9 =	sor.u32 $0xD0000000, s2;
	s6 =	simm.s32 $0x108;
	_ =	swait.ge @!p0 [sflag:s8], $0x0  }
0x24: {  	s3 =	sadd.s32 $0x88, s3;
	s6 =	simm.s32 @!p1 $0x1082;
	[sflag:s4] =	ssyncset.s32 $0xFFFFF086  }
0x25: {  	[simem:s6], [sflag:s4] =	dma.local [hbm:s3], $0xF7A  }
0x26: {  	[smem:$0x3F9F] =	sst s1;
	(tag) =	ssettag s2;
	_ =	strace s9  }
0x27: {  	s1 =	sld [smem:$0x3FAF]  }
0x28: {  	s2 =	sld [smem:$0x3FB0]  }
0x29: {  	s4 =	sld [smem:$0x3FB2]  }
0x2a: {  	p0 =	seq.s32 s5, $0x0;
	s5 =	sld [smem:$0x3FB3]  }
0x2b: {  	s6 =	sld [smem:$0x3FB4]  }
0x2c: {  	s7 =	sld [smem:$0x3FB5]  }
0x2d: {  	s3 =	simm.s32 $0x108;
	s8 =	sld [smem:$0x3FB6]  }
0x2e: {  	s3 =	simm.s32 @!p0 $0x1082;
	s9 =	sld [smem:$0x3FB7]  }
0x2f: {  	lr =	sadd.s32 s0, s3;
	s0 =	sld [smem:$0x3FAE]  }
0x30: {  	s3 =	sld [smem:$0x3FB1]  }
0x31: {  	[smem:$0x3FBA] =	sst s10  }
0x32: {  	s10 =	sld [smem:$0x3FB8];
	_ =	sdelay $0x3  }
0x33: {  	p0 =	seq.s32 s10, $0x1;
	s10 =	sld [smem:$0x3FBA];
	_ =	sdelay $0x3  }
0x34: {  	[smem:$0x3FBA] =	sst s10  }
0x35: {  	s10 =	sld [smem:$0x3FB9];
	_ =	sdelay $0x3  }
0x36: {  	p1 =	seq.s32 s10, $0x1;
	s10 =	sld [smem:$0x3FBA];
	_ =	sdelay $0x3  }
0x37: {  	[smem:$0x3FBA] =	sst s10  }
0x38: {  	s10 =	sld [smem:$0x3FBB]  }
0x39: {  	_ = 	snop;
	(pc) =	sbr.ind lr, $3  }
0x3a: {  	_ = 	snop  }
0x3b: {  	_ = 	snop  }
0x3c: {  	p2 =	seq.s32 s10, $0x1;
	s10 =	sld [smem:$0x3FBA]  }
0x3d: {  	_ =	shalt  }
0x3e: {  	_ =	shalt  }
0x3f: {  	_ =	shalt  }
0x40: {  	_ =	shalt  }
0x41: {  	_ =	shalt  }
0x42: {  	_ =	shalt  }
0x43: {  	_ =	shalt  }
0x44: {  	_ =	shalt  }
0x45: {  	_ =	shalt  }
0x46: {  	_ =	shalt  }
0x47: {  	_ =	shalt  }
0x48: {  	_ =	shalt  }
0x49: {  	_ =	shalt  }
0x4a: {  	_ =	shalt  }
0x4b: {  	_ =	shalt  }
0x4c: {  	_ =	shalt  }
0x4d: {  	_ =	shalt  }
0x4e: {  	_ =	shalt  }
0x4f: {  	_ =	shalt  }
0x50: {  	_ =	shalt  }
0x51: {  	_ =	shalt  }
0x52: {  	_ =	shalt  }
0x53: {  	_ =	shalt  }
0x54: {  	_ =	shalt  }
0x55: {  	_ =	shalt  }
0x56: {  	_ =	shalt  }
0x57: {  	_ =	shalt  }
0x58: {  	_ =	shalt  }
0x59: {  	_ =	shalt  }
0x5a: {  	_ =	shalt  }
0x5b: {  	_ =	shalt  }
0x5c: {  	_ =	shalt  }
0x5d: {  	_ =	shalt  }
0x5e: {  	_ =	shalt  }
0x5f: {  	_ =	shalt  }
0x60: {  	_ =	shalt  }
0x61: {  	_ =	shalt  }
0x62: {  	_ =	shalt  }
0x63: {  	_ =	shalt  }
0x64: {  	_ =	shalt  }
0x65: {  	_ =	shalt  }
0x66: {  	_ =	shalt  }
0x67: {  	_ =	shalt  }
0x68: {  	_ =	shalt  }
0x69: {  	_ =	shalt  }
0x6a: {  	_ =	shalt  }
0x6b: {  	_ =	shalt  }
0x6c: {  	_ =	shalt  }
0x6d: {  	_ =	shalt  }
0x6e: {  	_ =	shalt  }
0x6f: {  	_ =	shalt  }
0x70: {  	_ =	shalt  }
0x71: {  	_ =	shalt  }
0x72: {  	_ =	shalt  }
0x73: {  	_ =	shalt  }
0x74: {  	_ =	shalt  }
0x75: {  	_ =	shalt  }
0x76: {  	_ =	shalt  }
0x77: {  	_ =	shalt  }
0x78: {  	_ =	shalt  }
0x79: {  	_ =	shalt  }
0x7a: {  	_ =	shalt  }
0x7b: {  	_ =	shalt  }
0x7c: {  	_ =	shalt  }
0x7d: {  	_ =	shalt  }
0x7e: {  	_ =	shalt  }
0x7f: {  	_ =	shalt  }
0x80: {  	_ =	shalt  }
0x81: {  	_ =	shalt  }
0x82: {  	_ =	shalt  }
0x83: {  	_ =	shalt  }
0x84: {  	_ =	shalt  }
0x85: {  	_ =	shalt  }
0x86: {  	_ =	shalt  }
0x87: {  	_ =	shalt  }
.Lfunc_end0:
.L_simem_size_0:
called_computation_lowered:
.L_overlay_start_0:
0x88: {  	s2 =	sld [smem:$0x3FD9]  }
0x89: {  	s3 =	sld [smem:$0x3FFE];
	_ =	sdelay $0x1  }
0x8a: {  	s1 =	srdreg.scid  }
0x8b: {  	s0 =	sand.u32 $0x1, s1  }
0x8c: {  	s17 =	sshll.u32 s0, $0xA;
	s2 =	sadd.s32 s3, s2  }
0x8d: {  	s2 =	sadd.s32 s2, s17  }
0x8e: {  	[smem:$0x3FC6] =	sst s2  }
0x8f: {  	_ = 	snop  }
0x90: {  	s2 =	sld [smem:$0x3FC8]  }
0x91: {  	s18 =	sld [smem:$0x3FD0];
	(tm) =	ssettm $0x1  }
0x92: {  	s4 =	sld [smem:$0x3FFB];
	_ =	sdelay $0x3  }
0x93: {  	_ =	strace s4  }
0x94: {  	s4 =	sld [smem:$0x3FFC];
	_ =	sdelay $0x3  }
0x95: {  	_ =	strace s4  }
0x96: {  	s4 =	sld [smem:$0x3FFD];
	_ =	sdelay $0x3  }
0x97: {  	_ =	strace s4  }
0x98: {  	_ =	strace $0x8FFFFFFF  }
0x99: {  	s19 =	sld [smem:$0x3FDB];
	_ =	sdelay $0x1  }
0x9a: {  	s5 =	simm.s32 $_scs_section_size  }
0x9b: {  	s6 =	simm.s32 $_size__tile_overlayer_lowered;
	s7 =	simm.s32 $_tile_overlayer_lowered  }
0x9c: {  	s22 =	simm.s32 $0x1BFF;
	s21 =	sshll.u32 s7, $0x1;
	s4 =	sadd.s32 s5, s19  }
0x9d: {  	s8 =	simm.s32 $0x0;
	s20 =	sshll.u32 s6, $0x1;
	s6 =	sadd.s32 s21, s4  }
0x9e: {  	[timem:s8], [sflag:s22] =	dma.local [hbm:s6], s20  }
0x9f: {  	_ =	swait.ge [sflag:s22], s20  }
0xa0: {  	s5 =	ssub.s32 $0x0, s20;
	[sflag:s22] =	ssyncset.done $0x0  }
0xa1: {  	[sflag:s22] =	ssyncadd.s32 s5;
	_ =	sdelay $0x1  }
0xa2: {  	s23 =	simm.s32 $0x1B8B  }
0xa3: {  	_ =	swait.ge [sflag:s23], $0x1  }
0xa4: {  	[sflag:s23] =	ssyncset.done $0x0  }
0xa5: {  	s25 =	simm.s32 $0x1B8E;
	s24 =	sld [smem:$0x3FFE];
	[sflag:s23] =	ssyncadd.s32 $0xFFFFFFFF  }
0xa6: {  	s26 =	simm.s32 $execute0_lowered;
	[smem:$0x3FD2] =	sst s25  }
0xa7: {  	s6 =	sshll.u32 s26, $0x1;
	_ =	strace $0x80000046;
	[dreg:$0x1] =	wrdreg $0xFFFFFFFF  }
0xa8: {  	s28 =	simm.s32 $_size_execute0_lowered;
	s4 =	sadd.s32 s4, s6;
	[dreg:$0x0] =	wrdreg $0x0  }
0xa9: {  	s6 =	sshll.u32 s28, $0x1;
	[dreg:$0x2] =	wrdreg s4  }
0xaa: {  	[dreg:$0x3] =	wrdreg s6  }
0xab: {  	[dreg:$0x4] =	wrdreg $0xC0  }
0xac: {  	_ =	task [dreg:s8], $0x5FFFF  }
0xad: {  	[dreg:$0x1] =	wrdreg $0xFFFFFFFF  }
0xae: {  	[dreg:$0x0] =	wrdreg $0x60  }
0xaf: {  	[dreg:$0x2] =	wrdreg s24  }
0xb0: {  	[dreg:$0x3] =	wrdreg s2  }
0xb1: {  	[dreg:$0x4] =	wrdreg s18  }
0xb2: {  	[dreg:$0x5] =	wrdreg $0x9  }
0xb3: {  	_ =	task.clear_ibuf [dreg:s8], $0x6FFFF;
	_ =	strace $0x90000046  }
0xb4: {  	s29 =	simm.s32 $0x9;
	_ =	strace $0x80000048  }
0xb5: {  	_ =	swait.ge [sflag:s29], $0x1  }
0xb6: {  	[sflag:s29] =	ssyncadd.s32 $0xFFFFFFFF  }
0xb7: {  	_ =	strace $0x90000048  }
0xb8: {  	_ =	sfence  }
0xb9: {  	s30 =	sld [smem:$0x0];
	_ =	sdelay $0x2  }
0xba: {  	s31 =	sshll.u32 s1, $0xD;
	s1 =	sshrl.u32 s1, $0x2  }
0xbb: {  	s3 =	sand.u32 $0x4000, s31;
	s1 =	sadd.s32 s1, s30  }
0xbc: {  	s0 =	sor.u32 s3, s0;
	s1 =	sshll.u32 s1, $0x11  }
0xbd: {  	s0 =	sor.u32 s1, s0  }
0xbe: {  	s0 =	sadd.s32 $0x8F2B, s0  }
0xbf: {  	[sflag:s0] =	ssyncadd.remote.s32 $0x1  }
0xc0: {  	_ =	sfence.sel $0xFFFF  }
0xc1: {  	[dreg:$0x0] =	wrdreg $0xFFFFFFFF;
	(pc) =	sbr.abs _section_cstart, $3  }
0xc2: {  	[dreg:$0x1] =	wrdreg $0xFFFFFFFF  }
0xc3: {  	_ =	task.clear_ibuf [dreg:s8], $0x2FFFF;
	_ =	strace $0x9FFFFFFF  }
0xc4: {  	(tm) =	ssettm $0x7FFFFFFF  }
0xc5: {  	_ =	shalt  }
tec
execute0_lowered:
.L_overlay_start_1:
0x0: {  	(tag) =	ssettag $0x1  }
0x1: {  	s1 =	srdreg.scid;
	s4 =	stileid.u32  }
0x2: {  	s1 =	sand.u32 $0x1, s1;
	s5 =	sshll.u32 s4, $0x1  }
0x3: {  	s6 =	sor.u32 s1, s5  }
0x4: {  	s0 =	rddreg [dreg:$0x0];
	s5 =	smul.u32 $0xC38, s6  }
0x5: {  	s2 =	rddreg [dreg:$0x1];
	s4 =	simm.s32 $0x0;
	s7 =	smul.u32 $0x61C00, s6  }
0x6: {  	[smem:$0x7FF] =	sst s4;
	s10 =	smul.u32 $0xC380, s6  }
0x7: {  	s3 =	rddreg [dreg:$0x2];
	_ =	strace $0x80000047;
	s9 =	sshrl.u32 s5, $0x3  }
0x8: {  	s7 =	sshrl.u32 s7, $0x3;
	s17 =	sadd.s32 s3, s10;
	[smem:$0x7FB] =	sst s5  }
0x9: {  	s16 =	sadd.s32 s0, s9;
	s0 =	sadd.s32 $0x2F59, s0;
	[dreg:$0x6] =	wrdreg s17  }
0xa: {  	[dreg:$0x5] =	wrdreg s0;
	s0 =	sadd.s32 s3, s7  }
0xb: {  	[dreg:$0x4] =	wrdreg s16;
	s7 =	sadd.s32 $0x400, s0  }
0xc: {  	s18 =	sadd.s32 $0x800, s0;
	[dreg:$0x7] =	wrdreg s7  }
0xd: {  	s19 =	sadd.s32 $0xC00, s0;
	[dreg:$0x8] =	wrdreg s18  }
0xe: {  	s20 =	sadd.s32 $0x1000, s0;
	[dreg:$0x9] =	wrdreg s19  }
0xf: {  	s21 =	sadd.s32 $0x1400, s0;
	[dreg:$0xa] =	wrdreg s20  }
0x10: {  	s22 =	sadd.s32 $0x1800, s0;
	[dreg:$0xb] =	wrdreg s21  }
0x11: {  	s23 =	sadd.s32 $0x1C00, s0;
	[dreg:$0xc] =	wrdreg s22  }
0x12: {  	s24 =	sadd.s32 $0x2000, s0;
	[dreg:$0xd] =	wrdreg s23  }
0x13: {  	s25 =	sadd.s32 $0x2400, s0;
	[dreg:$0xe] =	wrdreg s24  }
0x14: {  	s26 =	sadd.s32 $0x2800, s0;
	[dreg:$0xf] =	wrdreg s25  }
0x15: {  	s28 =	sadd.s32 $0x2C00, s0;
	[dreg:$0x10] =	wrdreg s26  }
0x16: {  	s1 =	ssub.s32 $0x2, s1;
	s29 =	sadd.s32 $0x9000, s0;
	[dreg:$0x11] =	wrdreg s28  }
0x17: {  	s8 =	sshrl.u32 s1, $0x1;
	s30 =	sadd.s32 $0x9400, s0;
	[dreg:$0x12] =	wrdreg s29  }
0x18: {  	s1 =	ssub.s32 s1, s8;
	s8 =	sadd.s32 $0x9800, s0;
	[dreg:$0x13] =	wrdreg s30  }
0x19: {  	s9 =	sadd.s32 $0x9C00, s0;
	[dreg:$0x14] =	wrdreg s8  }
0x1a: {  	s10 =	sadd.s32 $0xA000, s0;
	[dreg:$0x15] =	wrdreg s9  }
0x1b: {  	s11 =	sadd.s32 $0xA400, s0;
	[dreg:$0x16] =	wrdreg s10  }
0x1c: {  	s12 =	sadd.s32 $0xA800, s0;
	[dreg:$0x17] =	wrdreg s11  }
0x1d: {  	s13 =	sadd.s32 $0xAC00, s0;
	[dreg:$0x18] =	wrdreg s12  }
0x1e: {  	s14 =	sadd.s32 $0xB000, s0;
	[dreg:$0x19] =	wrdreg s13  }
0x1f: {  	s15 =	sadd.s32 $0xB400, s0;
	[dreg:$0x1a] =	wrdreg s14  }
0x20: {  	s16 =	sadd.s32 $0xB800, s0;
	[dreg:$0x1b] =	wrdreg s15  }
0x21: {  	s17 =	sadd.s32 $0xBC00, s0;
	[dreg:$0x1c] =	wrdreg s16  }
0x22: {  	s0 =	sadd.s32 $0xC000, s0;
	[dreg:$0x1d] =	wrdreg s17  }
0x23: {  	[dreg:$0x1e] =	wrdreg s0;
	s18 =	smax.u32 s1, $0x1  }
0x24: {  	s19 =	sadd.s32 $0x40, s5;
	[dreg:$0x1f] =	wrdreg s18  }
0x25: {  	s20 =	sadd.s32 $0x80, s5;
	[smem:$0x7F2] =	sst s19  }
0x26: {  	s21 =	sadd.s32 $0xC0, s5;
	[smem:$0x7F3] =	sst s20  }
0x27: {  	s22 =	sadd.s32 $0x100, s5;
	[smem:$0x7F4] =	sst s21  }
0x28: {  	s23 =	sadd.s32 $0x140, s5;
	[smem:$0x7F5] =	sst s22  }
0x29: {  	s31 =	simm.s32 $0x18;
	s24 =	sadd.s32 $0x180, s5;
	[smem:$0x7F6] =	sst s23  }
0x2a: {  	p0 =	seq.s32 s6, $0x1F;
	s25 =	sadd.s32 $0x1C0, s5;
	[smem:$0x7F7] =	sst s24  }
0x2b: {  	s26 =	sadd.s32 $0x200, s5;
	s28 =	sadd.s32 $0x240, s5;
	[smem:$0x7F8] =	sst s25  }
0x2c: {  	s29 =	sadd.s32 $0x280, s5;
	s30 =	sadd.s32 $0x186880, s3;
	[smem:$0x7F9] =	sst s26  }
0x2d: {  	s16 =	simm.s32 $0x16C80;
	s17 =	simm.s32 $0x2;
	[smem:$0x7FA] =	sst s28  }
0x2e: {  	s5 =	simm.s32 $0xC;
	s1 =	simm.s32 $0x0;
	[smem:$0x7FC] =	sst s29  }
0x2f: {  	[smem:$0x7FD] =	sst s30;
	s18 =	simm.s32 $0x40;
	s25 =	simm.s32 $0x16C80  }
.LBB2_1:
0x30: {  	s28 =	simm.s32 @p0 $0x0;
	s0 =	rddreg [dreg:$0x5]  }
0x31: {  	[tilespmem:s28], [sflag:$0x1B] =	stream.linear.gather @p0 [hbm4b:s0+s28], $0xBD8, $0x38;
	[tilespmem:$0x1A880] =	vst v63  }
0x32: {  	[smem:$0x7F1] =	sst s1;
	s28 =	simm.s32 @p0 $0x1B  }
0x33: {  	_ =	swait.ge @p0 [sflag:s28], $0xBD8  }
0x34: {  	[sflag:s28] =	ssyncset.done @p0 $0x0  }
0x35: {  	s0 =	rddreg [dreg:$0x4];
	[sflag:s28] =	ssyncadd.s32 @p0 $0xFFFFF428;
	s28 =	simm.s32 @!p0 $0x0  }
0x36: {  	[tilespmem:s28], [sflag:$0x1B] =	stream.linear.gather @!p0 [hbm4b:s0+s28], $0xC38, $0x38;
	[tilespmem:$0x1A880] =	vst v63  }
0x37: {  	s28 =	simm.s32 @!p0 $0x1B  }
0x38: {  	_ =	swait.ge @!p0 [sflag:s28], $0xC38  }
0x39: {  	[sflag:s28] =	ssyncset.done @!p0 $0x0  }
0x3a: {  	s1 =	simm.s32 $0xC80;
	[sflag:s28] =	ssyncadd.s32 @!p0 $0xFFFFF3C8  }
0x3b: {  	[tilespmem:s1], [sflag:$0x1] =	stream.indirect.gather [hbm4b:s2+s18], $0x80, s4, s18, $0xb8;
	[tilespmem:$0x1A880] =	vst v63  }
0x3c: {  	s6 =	simm.s32 $0x2C80  }
0x3d: {  	[tilespmem:s6], [sflag:$0x2] =	stream.indirect.gather [hbm4b:s2+s18], $0x80, s18, s18, $0xb8;
	[tilespmem:$0x1A880] =	vst v63  }
0x3e: {  	s12 =	simm.s32 $0x80;
	s7 =	simm.s32 $0x4C80  }
0x3f: {  	[tilespmem:s7], [sflag:$0x3] =	stream.indirect.gather [hbm4b:s2+s18], $0x80, s12, s18, $0xb8;
	[tilespmem:$0x1A880] =	vst v63  }
0x40: {  	s13 =	simm.s32 $0xC0;
	s8 =	simm.s32 $0x6C80  }
0x41: {  	[tilespmem:s8], [sflag:$0x4] =	stream.indirect.gather [hbm4b:s2+s18], $0x80, s13, s18, $0xb8;
	[tilespmem:$0x1A880] =	vst v63  }
0x42: {  	s14 =	simm.s32 $0x100;
	s9 =	simm.s32 $0x8C80  }
0x43: {  	[tilespmem:s9], [sflag:$0x5] =	stream.indirect.gather [hbm4b:s2+s18], $0x80, s14, s18, $0xb8;
	[tilespmem:$0x1A880] =	vst v63  }
0x44: {  	s15 =	simm.s32 $0x140;
	s10 =	simm.s32 $0xAC80  }
0x45: {  	[tilespmem:s10], [sflag:$0x6] =	stream.indirect.gather [hbm4b:s2+s18], $0x80, s15, s18, $0xb8;
	[tilespmem:$0x1A880] =	vst v63  }
0x46: {  	s19 =	simm.s32 $0x180;
	s11 =	simm.s32 $0xCC80  }
0x47: {  	[tilespmem:s11], [sflag:$0x7] =	stream.indirect.gather [hbm4b:s2+s18], $0x80, s19, s18, $0xb8;
	[tilespmem:$0x1A880] =	vst v63  }
0x48: {  	s20 =	simm.s32 $0x1C0;
	s12 =	simm.s32 $0xEC80  }
0x49: {  	[tilespmem:s12], [sflag:$0x8] =	stream.indirect.gather [hbm4b:s2+s18], $0x80, s20, s18, $0xb8;
	[tilespmem:$0x1A880] =	vst v63  }
0x4a: {  	s21 =	simm.s32 $0x200;
	s13 =	simm.s32 $0x10C80  }
0x4b: {  	[tilespmem:s13], [sflag:$0x9] =	stream.indirect.gather [hbm4b:s2+s18], $0x80, s21, s18, $0xb8;
	[tilespmem:$0x1A880] =	vst v63  }
0x4c: {  	s22 =	simm.s32 $0x240;
	s14 =	simm.s32 $0x12C80  }
0x4d: {  	[tilespmem:s14], [sflag:$0xA] =	stream.indirect.gather [hbm4b:s2+s18], $0x80, s22, s18, $0xb8;
	[tilespmem:$0x1A880] =	vst v63  }
0x4e: {  	s23 =	simm.s32 $0x280;
	s29 =	simm.s32 @p0 $0xBC0;
	s15 =	simm.s32 $0x14C80  }
0x4f: {  	[tilespmem:s15], [sflag:$0xB] =	stream.indirect.gather [hbm4b:s2+s18], $0x80, s23, s18, $0xb8;
	[tilespmem:$0x1A880] =	vst v63  }
0x50: {  	s30 =	simm.s32 @p0 $0x18C80;
	s24 =	simm.s32 $0x1;
	s28 =	simm.s32 @p0 $0x18  }
0x51: {  	[tilespmem:s30], [sflag:$0x19] =	stream.indirect.gather @p0 [hbm4b:s2+s28], $0x80, s29, s28, $0xb8;
	[tilespmem:$0x1A880] =	vst v63  }
0x52: {  	s28 =	simm.s32 @!p0 $0x38;
	s29 =	simm.s32 @!p0 $0xC00;
	s30 =	simm.s32 @!p0 $0x18C80  }
0x53: {  	[tilespmem:s30], [sflag:$0x19] =	stream.indirect.gather @!p0 [hbm4b:s2+s28], $0x80, s29, s28, $0xb8;
	[tilespmem:$0x1A880] =	vst v63  }
0x54: {  	_ =	swait.ge [sflag:s24], $0x2000  }
0x55: {  	[sflag:s24] =	ssyncset.done $0x0  }
0x56: {  	s26 =	rddreg [dreg:$0x6];
	[sflag:s24] =	ssyncadd.s32 $0xFFFFE000  }
0x57: {  	[hbm4b:s26+s4] =	stream.linear.scatter [tilespmem:s1], [sflag:$0xD], $0x2000, $0x38;
	[tilespmem:$0x1A880] =	vst v63  }
0x58: {  	s28 =	simm.s32 $0x2C0  }
0x59: {  	[tilespmem:s16], [sflag:$0xC] =	stream.indirect.gather [hbm4b:s2+s18], $0x80, s28, s18, $0xb8;
	[tilespmem:$0x1A880] =	vst v63  }
0x5a: {  	_ =	swait.ge [sflag:s17], $0x2000  }
0x5b: {  	[sflag:s17] =	ssyncset.done $0x0  }
0x5c: {  	s29 =	rddreg [dreg:$0x7];
	[sflag:s17] =	ssyncadd.s32 $0xFFFFE000;
	s17 =	simm.s32 $0xD  }
0x5d: {  	[hbm4b:s29+s4] =	stream.linear.scatter [tilespmem:s6], [sflag:$0xE], $0x2000, $0x38;
	[tilespmem:$0x1A880] =	vst v63  }
0x5e: {  	_ =	swait.ge [sflag:s17], $0x2000  }
0x5f: {  	[sflag:s17] =	ssyncset.done $0x0  }
0x60: {  	s19 =	simm.s32 $0x300;
	s20 =	simm.s32 $0x3;
	[sflag:s17] =	ssyncadd.s32 $0xFFFFE000  }
0x61: {  	[tilespmem:s1], [sflag:$0x1] =	stream.indirect.gather [hbm4b:s2+s18], $0x80, s19, s18, $0xb8;
	[tilespmem:$0x1A880] =	vst v63  }
0x62: {  	_ =	swait.ge [sflag:s20], $0x2000  }
0x63: {  	[sflag:s20] =	ssyncset.done $0x0  }
0x64: {  	s22 =	simm.s32 $0xE;
	s21 =	rddreg [dreg:$0x8];
	[sflag:s20] =	ssyncadd.s32 $0xFFFFE000  }
0x65: {  	[hbm4b:s21+s4] =	stream.linear.scatter [tilespmem:s7], [sflag:$0xF], $0x2000, $0x38;
	[tilespmem:$0x1A880] =	vst v63  }
0x66: {  	_ =	swait.ge [sflag:s22], $0x2000  }
0x67: {  	[sflag:s22] =	ssyncset.done $0x0  }
0x68: {  	s23 =	simm.s32 $0x340;
	s24 =	simm.s32 $0x4;
	[sflag:s22] =	ssyncadd.s32 $0xFFFFE000  }
0x69: {  	[tilespmem:s6], [sflag:$0x2] =	stream.indirect.gather [hbm4b:s2+s18], $0x80, s23, s18, $0xb8;
	[tilespmem:$0x1A880] =	vst v63  }
0x6a: {  	_ =	swait.ge [sflag:s24], $0x2000  }
0x6b: {  	[sflag:s24] =	ssyncset.done $0x0  }
0x6c: {  	s28 =	simm.s32 $0xF;
	s26 =	rddreg [dreg:$0x9];
	[sflag:s24] =	ssyncadd.s32 $0xFFFFE000  }
0x6d: {  	[hbm4b:s26+s4] =	stream.linear.scatter [tilespmem:s8], [sflag:$0x10], $0x2000, $0x38;
	[tilespmem:$0x1A880] =	vst v63  }
0x6e: {  	_ =	swait.ge [sflag:s28], $0x2000  }
0x6f: {  	[sflag:s28] =	ssyncset.done $0x0  }
0x70: {  	s29 =	simm.s32 $0x380;
	s1 =	simm.s32 $0x5;
	[sflag:s28] =	ssyncadd.s32 $0xFFFFE000  }
0x71: {  	[tilespmem:s7], [sflag:$0x3] =	stream.indirect.gather [hbm4b:s2+s18], $0x80, s29, s18, $0xb8;
	[tilespmem:$0x1A880] =	vst v63  }
0x72: {  	_ =	swait.ge [sflag:s1], $0x2000  }
0x73: {  	[sflag:s1] =	ssyncset.done $0x0  }
0x74: {  	s7 =	simm.s32 $0x10;
	s6 =	rddreg [dreg:$0xa];
	[sflag:s1] =	ssyncadd.s32 $0xFFFFE000  }
0x75: {  	[hbm4b:s6+s4] =	stream.linear.scatter [tilespmem:s9], [sflag:$0x11], $0x2000, $0x38;
	[tilespmem:$0x1A880] =	vst v63  }
0x76: {  	_ =	swait.ge [sflag:s7], $0x2000  }
0x77: {  	[sflag:s7] =	ssyncset.done $0x0  }
0x78: {  	s17 =	simm.s32 $0x3C0;
	s19 =	simm.s32 $0x6;
	[sflag:s7] =	ssyncadd.s32 $0xFFFFE000  }
0x79: {  	[tilespmem:s8], [sflag:$0x4] =	stream.indirect.gather [hbm4b:s2+s18], $0x80, s17, s18, $0xb8;
	[tilespmem:$0x1A880] =	vst v63  }
0x7a: {  	_ =	swait.ge [sflag:s19], $0x2000  }
0x7b: {  	[sflag:s19] =	ssyncset.done $0x0  }
0x7c: {  	s21 =	simm.s32 $0x11;
	s20 =	rddreg [dreg:$0xb];
	[sflag:s19] =	ssyncadd.s32 $0xFFFFE000  }
0x7d: {  	[hbm4b:s20+s4] =	stream.linear.scatter [tilespmem:s10], [sflag:$0x12], $0x2000, $0x38;
	[tilespmem:$0x1A880] =	vst v63  }
0x7e: {  	_ =	swait.ge [sflag:s21], $0x2000  }
0x7f: {  	[sflag:s21] =	ssyncset.done $0x0  }
0x80: {  	s22 =	simm.s32 $0x400;
	s23 =	simm.s32 $0x7;
	[sflag:s21] =	ssyncadd.s32 $0xFFFFE000  }
0x81: {  	[tilespmem:s9], [sflag:$0x5] =	stream.indirect.gather [hbm4b:s2+s18], $0x80, s22, s18, $0xb8;
	[tilespmem:$0x1A880] =	vst v63  }
0x82: {  	_ =	swait.ge [sflag:s23], $0x2000  }
0x83: {  	[sflag:s23] =	ssyncset.done $0x0  }
0x84: {  	s26 =	simm.s32 $0x12;
	s24 =	rddreg [dreg:$0xc];
	[sflag:s23] =	ssyncadd.s32 $0xFFFFE000  }
0x85: {  	[hbm4b:s24+s4] =	stream.linear.scatter [tilespmem:s11], [sflag:$0x13], $0x2000, $0x38;
	[tilespmem:$0x1A880] =	vst v63  }
0x86: {  	_ =	swait.ge [sflag:s26], $0x2000  }
0x87: {  	[sflag:s26] =	ssyncset.done $0x0  }
0x88: {  	s28 =	simm.s32 $0x440;
	s29 =	simm.s32 $0x8;
	[sflag:s26] =	ssyncadd.s32 $0xFFFFE000  }
0x89: {  	[tilespmem:s10], [sflag:$0x6] =	stream.indirect.gather [hbm4b:s2+s18], $0x80, s28, s18, $0xb8;
	[tilespmem:$0x1A880] =	vst v63  }
0x8a: {  	_ =	swait.ge [sflag:s29], $0x2000  }
0x8b: {  	[sflag:s29] =	ssyncset.done $0x0  }
0x8c: {  	s6 =	simm.s32 $0x13;
	s1 =	rddreg [dreg:$0xd];
	[sflag:s29] =	ssyncadd.s32 $0xFFFFE000  }
0x8d: {  	[hbm4b:s1+s4] =	stream.linear.scatter [tilespmem:s12], [sflag:$0x14], $0x2000, $0x38;
	[tilespmem:$0x1A880] =	vst v63  }
0x8e: {  	_ =	swait.ge [sflag:s6], $0x2000  }
0x8f: {  	[sflag:s6] =	ssyncset.done $0x0  }
0x90: {  	s7 =	simm.s32 $0x480;
	s8 =	simm.s32 $0x9;
	[sflag:s6] =	ssyncadd.s32 $0xFFFFE000  }
0x91: {  	[tilespmem:s11], [sflag:$0x7] =	stream.indirect.gather [hbm4b:s2+s18], $0x80, s7, s18, $0xb8;
	[tilespmem:$0x1A880] =	vst v63  }
0x92: {  	_ =	swait.ge [sflag:s8], $0x2000  }
0x93: {  	[sflag:s8] =	ssyncset.done $0x0  }
0x94: {  	s10 =	simm.s32 $0x14;
	s9 =	rddreg [dreg:$0xe];
	[sflag:s8] =	ssyncadd.s32 $0xFFFFE000  }
0x95: {  	[hbm4b:s9+s4] =	stream.linear.scatter [tilespmem:s13], [sflag:$0x15], $0x2000, $0x38;
	[tilespmem:$0x1A880] =	vst v63  }
0x96: {  	_ =	swait.ge [sflag:s10], $0x2000  }
0x97: {  	[sflag:s10] =	ssyncset.done $0x0  }
0x98: {  	s11 =	simm.s32 $0x4C0;
	[sflag:s10] =	ssyncadd.s32 $0xFFFFE000  }
0x99: {  	[tilespmem:s12], [sflag:$0x8] =	stream.indirect.gather [hbm4b:s2+s18], $0x80, s11, s18, $0xb8;
	[tilespmem:$0x1A880] =	vst v63  }
0x9a: {  	s12 =	simm.s32 $0xA  }
0x9b: {  	_ =	swait.ge [sflag:s12], $0x2000  }
0x9c: {  	[sflag:s12] =	ssyncset.done $0x0  }
0x9d: {  	s19 =	simm.s32 $0x15;
	s17 =	rddreg [dreg:$0xf];
	[sflag:s12] =	ssyncadd.s32 $0xFFFFE000  }
0x9e: {  	[hbm4b:s17+s4] =	stream.linear.scatter [tilespmem:s14], [sflag:$0x16], $0x2000, $0x38;
	[tilespmem:$0x1A880] =	vst v63  }
0x9f: {  	_ =	swait.ge [sflag:s19], $0x2000  }
0xa0: {  	[sflag:s19] =	ssyncset.done $0x0  }
0xa1: {  	s20 =	simm.s32 $0x500;
	s21 =	simm.s32 $0xB;
	[sflag:s19] =	ssyncadd.s32 $0xFFFFE000  }
0xa2: {  	[tilespmem:s13], [sflag:$0x9] =	stream.indirect.gather [hbm4b:s2+s18], $0x80, s20, s18, $0xb8;
	[tilespmem:$0x1A880] =	vst v63  }
0xa3: {  	_ =	swait.ge [sflag:s21], $0x2000  }
0xa4: {  	[sflag:s21] =	ssyncset.done $0x0  }
0xa5: {  	s23 =	simm.s32 $0x16;
	s22 =	rddreg [dreg:$0x10];
	[sflag:s21] =	ssyncadd.s32 $0xFFFFE000  }
0xa6: {  	[hbm4b:s22+s4] =	stream.linear.scatter [tilespmem:s15], [sflag:$0x17], $0x2000, $0x38;
	[tilespmem:$0x1A880] =	vst v63  }
0xa7: {  	_ =	swait.ge [sflag:s23], $0x2000  }
0xa8: {  	[sflag:s23] =	ssyncset.done $0x0  }
0xa9: {  	s24 =	simm.s32 $0x540;
	[sflag:s23] =	ssyncadd.s32 $0xFFFFE000  }
0xaa: {  	[tilespmem:s14], [sflag:$0xA] =	stream.indirect.gather [hbm4b:s2+s18], $0x80, s24, s18, $0xb8;
	[tilespmem:$0x1A880] =	vst v63  }
0xab: {  	_ =	swait.ge [sflag:s5], $0x2000  }
0xac: {  	[sflag:s5] =	ssyncset.done $0x0  }
0xad: {  	s28 =	simm.s32 $0x17;
	s26 =	rddreg [dreg:$0x11];
	[sflag:s5] =	ssyncadd.s32 $0xFFFFE000  }
0xae: {  	[hbm4b:s26+s4] =	stream.linear.scatter [tilespmem:s16], [sflag:$0x18], $0x2000, $0x38;
	[tilespmem:$0x1A880] =	vst v63  }
0xaf: {  	_ =	swait.ge [sflag:s28], $0x2000  }
0xb0: {  	s17 =	sld [smem:$0x7F2]  }
0xb1: {  	s1 =	sld [smem:$0x7F3]  }
0xb2: {  	s7 =	sld [smem:$0x7F4]  }
0xb3: {  	s8 =	sld [smem:$0x7F5]  }
0xb4: {  	s9 =	sld [smem:$0x7F6]  }
0xb5: {  	s10 =	sld [smem:$0x7F7]  }
0xb6: {  	s11 =	sld [smem:$0x7F8]  }
0xb7: {  	p1 =	por $0x1, $0x1;
	s30 =	simm.s32 $0x1;
	s12 =	sld [smem:$0x7F9]  }
0xb8: {  	s29 =	simm.s32 $0x580;
	[sflag:s28] =	ssyncset.done $0x0;
	s13 =	sld [smem:$0x7FA]  }
0xb9: {  	s5 =	simm.s32 $0xC;
	s23 =	sld [smem:$0x7FC];
	[sflag:s28] =	ssyncadd.s32 $0xFFFFE000  }
0xba: {  	[tilespmem:s15], [sflag:$0xB] =	stream.indirect.gather [hbm4b:s2+s18], $0x80, s29, s18, $0xb8;
	[tilespmem:$0x1A880] =	vst v63  }
.LBB2_2:
0xbb: {  	s6 =	simm.s32 $0x1  }
0xbc: {  	_ =	swait.ge [sflag:s6], $0x2000  }
0xbd: {  	s0 =	sld [smem:$0x7FB]  }
0xbe: {  	s29 =	smul.u32 $0x300, s30;
	_ =	sdelay $0x1  }
0xbf: {  	s28 =	sadd.s32 s0, s29  }
0xc0: {  	[sflag:s6] =	ssyncset.done $0x0;
	s28 =	sshll.u32 s28, $0x4  }
0xc1: {  	s14 =	simm.s32 $0xC80;
	[sflag:s6] =	ssyncadd.s32 $0xFFFFE000;
	s28 =	sadd.s32 s3, s28  }
0xc2: {  	[hbm4b:s28+s4] =	stream.linear.scatter [tilespmem:s14], [sflag:$0xD], $0x2000, $0x38;
	[tilespmem:$0x1A880] =	vst v63  }
0xc3: {  	_ =	swait.ge [sflag:s31], $0x2000  }
0xc4: {  	[sflag:s31] =	ssyncset.done $0x0  }
0xc5: {  	s22 =	simm.s32 $0x2;
	s28 =	sadd.s32 $0x2C0, s29;
	[sflag:s31] =	ssyncadd.s32 $0xFFFFE000  }
0xc6: {  	[tilespmem:s25], [sflag:$0xC] =	stream.indirect.gather [hbm4b:s2+s18], $0x80, s28, s18, $0xb8;
	[tilespmem:$0x1A880] =	vst v63  }
0xc7: {  	s15 =	simm.s32 $0x2C80;
	s24 =	sadd.s32 s29, s17;
	_ =	swait.ge [sflag:s22], $0x2000  }
0xc8: {  	s16 =	simm.s32 $0xD;
	s6 =	sshll.u32 s24, $0x4;
	[sflag:s22] =	ssyncset.done $0x0  }
0xc9: {  	s26 =	sadd.s32 s3, s6;
	s6 =	smul.u32 $0xC00, s30;
	[sflag:s22] =	ssyncadd.s32 $0xFFFFE000  }
0xca: {  	[hbm4b:s26+s4] =	stream.linear.scatter [tilespmem:s15], [sflag:$0xE], $0x2000, $0x38;
	[tilespmem:$0x1A880] =	vst v63  }
0xcb: {  	_ =	swait.ge [sflag:s16], $0x2000  }
0xcc: {  	s30 =	sshra.s32 s6, $0x2;
	[sflag:s16] =	ssyncset.done $0x0  }
0xcd: {  	s19 =	simm.s32 $0x3;
	s0 =	sadd.s32 $0x300, s30;
	[sflag:s16] =	ssyncadd.s32 $0xFFFFE000  }
0xce: {  	[tilespmem:s14], [sflag:$0x1] =	stream.indirect.gather [hbm4b:s2+s18], $0x80, s0, s18, $0xb8;
	[tilespmem:$0x1A880] =	vst v63  }
0xcf: {  	s20 =	sadd.s32 s29, s1;
	_ =	swait.ge [sflag:s19], $0x2000  }
0xd0: {  	s21 =	simm.s32 $0xE;
	s0 =	sshll.u32 s20, $0x4;
	[sflag:s19] =	ssyncset.done $0x0  }
0xd1: {  	s16 =	simm.s32 $0x4C80;
	s0 =	sadd.s32 s3, s0;
	[sflag:s19] =	ssyncadd.s32 $0xFFFFE000  }
0xd2: {  	[hbm4b:s0+s4] =	stream.linear.scatter [tilespmem:s16], [sflag:$0xF], $0x2000, $0x38;
	[tilespmem:$0x1A880] =	vst v63  }
0xd3: {  	_ =	swait.ge [sflag:s21], $0x2000  }
0xd4: {  	[sflag:s21] =	ssyncset.done $0x0  }
0xd5: {  	s24 =	simm.s32 $0x4;
	s22 =	sadd.s32 $0x340, s30;
	[sflag:s21] =	ssyncadd.s32 $0xFFFFE000  }
0xd6: {  	[tilespmem:s15], [sflag:$0x2] =	stream.indirect.gather [hbm4b:s2+s18], $0x80, s22, s18, $0xb8;
	[tilespmem:$0x1A880] =	vst v63  }
0xd7: {  	s26 =	sadd.s32 s29, s7;
	_ =	swait.ge [sflag:s24], $0x2000  }
0xd8: {  	s0 =	sshll.u32 s26, $0x4;
	s26 =	simm.s32 $0x6C80;
	[sflag:s24] =	ssyncset.done $0x0  }
0xd9: {  	s0 =	sadd.s32 s3, s0;
	s15 =	simm.s32 $0xF;
	[sflag:s24] =	ssyncadd.s32 $0xFFFFE000  }
0xda: {  	[hbm4b:s0+s4] =	stream.linear.scatter [tilespmem:s26], [sflag:$0x10], $0x2000, $0x38;
	[tilespmem:$0x1A880] =	vst v63  }
0xdb: {  	_ =	swait.ge [sflag:s15], $0x2000  }
0xdc: {  	[sflag:s15] =	ssyncset.done $0x0  }
0xdd: {  	s20 =	simm.s32 $0x5;
	s19 =	sadd.s32 $0x380, s30;
	[sflag:s15] =	ssyncadd.s32 $0xFFFFE000  }
0xde: {  	[tilespmem:s16], [sflag:$0x3] =	stream.indirect.gather [hbm4b:s2+s18], $0x80, s19, s18, $0xb8;
	[tilespmem:$0x1A880] =	vst v63  }
0xdf: {  	s21 =	sadd.s32 s29, s8;
	_ =	swait.ge [sflag:s20], $0x2000  }
0xe0: {  	s22 =	simm.s32 $0x10;
	s0 =	sshll.u32 s21, $0x4;
	[sflag:s20] =	ssyncset.done $0x0  }
0xe1: {  	s0 =	sadd.s32 s3, s0;
	s19 =	simm.s32 $0x8C80;
	[sflag:s20] =	ssyncadd.s32 $0xFFFFE000  }
0xe2: {  	[hbm4b:s0+s4] =	stream.linear.scatter [tilespmem:s19], [sflag:$0x11], $0x2000, $0x38;
	[tilespmem:$0x1A880] =	vst v63  }
0xe3: {  	_ =	swait.ge [sflag:s22], $0x2000  }
0xe4: {  	[sflag:s22] =	ssyncset.done $0x0  }
0xe5: {  	s24 =	sadd.s32 $0x3C0, s30;
	s20 =	simm.s32 $0x6;
	[sflag:s22] =	ssyncadd.s32 $0xFFFFE000  }
0xe6: {  	[tilespmem:s26], [sflag:$0x4] =	stream.indirect.gather [hbm4b:s2+s18], $0x80, s24, s18, $0xb8;
	[tilespmem:$0x1A880] =	vst v63  }
0xe7: {  	s26 =	sadd.s32 s29, s9;
	_ =	swait.ge [sflag:s20], $0x2000  }
0xe8: {  	s21 =	simm.s32 $0x11;
	s0 =	sshll.u32 s26, $0x4;
	[sflag:s20] =	ssyncset.done $0x0  }
0xe9: {  	s0 =	sadd.s32 s3, s0;
	[sflag:s20] =	ssyncadd.s32 $0xFFFFE000;
	s20 =	simm.s32 $0xAC80  }
0xea: {  	[hbm4b:s0+s4] =	stream.linear.scatter [tilespmem:s20], [sflag:$0x12], $0x2000, $0x38;
	[tilespmem:$0x1A880] =	vst v63  }
0xeb: {  	_ =	swait.ge [sflag:s21], $0x2000  }
0xec: {  	[sflag:s21] =	ssyncset.done $0x0  }
0xed: {  	s22 =	sadd.s32 $0x400, s30;
	s24 =	simm.s32 $0x7;
	[sflag:s21] =	ssyncadd.s32 $0xFFFFE000  }
0xee: {  	[tilespmem:s19], [sflag:$0x5] =	stream.indirect.gather [hbm4b:s2+s18], $0x80, s22, s18, $0xb8;
	[tilespmem:$0x1A880] =	vst v63  }
0xef: {  	s21 =	sadd.s32 s29, s10;
	_ =	swait.ge [sflag:s24], $0x2000  }
0xf0: {  	s0 =	sshll.u32 s21, $0x4;
	s21 =	simm.s32 $0xCC80;
	[sflag:s24] =	ssyncset.done $0x0  }
0xf1: {  	s22 =	simm.s32 $0x12;
	s0 =	sadd.s32 s3, s0;
	[sflag:s24] =	ssyncadd.s32 $0xFFFFE000  }
0xf2: {  	[hbm4b:s0+s4] =	stream.linear.scatter [tilespmem:s21], [sflag:$0x13], $0x2000, $0x38;
	[tilespmem:$0x1A880] =	vst v63  }
0xf3: {  	_ =	swait.ge [sflag:s22], $0x2000  }
0xf4: {  	[sflag:s22] =	ssyncset.done $0x0  }
0xf5: {  	s24 =	sadd.s32 $0x440, s30;
	[sflag:s22] =	ssyncadd.s32 $0xFFFFE000;
	s22 =	simm.s32 $0x8  }
0xf6: {  	[tilespmem:s20], [sflag:$0x6] =	stream.indirect.gather [hbm4b:s2+s18], $0x80, s24, s18, $0xb8;
	[tilespmem:$0x1A880] =	vst v63  }
0xf7: {  	s24 =	sadd.s32 s29, s11;
	_ =	swait.ge [sflag:s22], $0x2000  }
0xf8: {  	s20 =	simm.s32 $0x13;
	s0 =	sshll.u32 s24, $0x4;
	[sflag:s22] =	ssyncset.done $0x0  }
0xf9: {  	s0 =	sadd.s32 s3, s0;
	[sflag:s22] =	ssyncadd.s32 $0xFFFFE000;
	s22 =	simm.s32 $0xEC80  }
0xfa: {  	[hbm4b:s0+s4] =	stream.linear.scatter [tilespmem:s22], [sflag:$0x14], $0x2000, $0x38;
	[tilespmem:$0x1A880] =	vst v63  }
0xfb: {  	_ =	swait.ge [sflag:s20], $0x2000  }
0xfc: {  	[sflag:s20] =	ssyncset.done $0x0  }
0xfd: {  	s24 =	sadd.s32 $0x480, s30;
	[sflag:s20] =	ssyncadd.s32 $0xFFFFE000  }
0xfe: {  	[tilespmem:s21], [sflag:$0x7] =	stream.indirect.gather [hbm4b:s2+s18], $0x80, s24, s18, $0xb8;
	[tilespmem:$0x1A880] =	vst v63  }
0xff: {  	s21 =	simm.s32 $0x9  }
0x100: {  	s24 =	sadd.s32 s29, s12;
	_ =	swait.ge [sflag:s21], $0x2000  }
0x101: {  	s31 =	simm.s32 $0x10C80;
	s0 =	sshll.u32 s24, $0x4;
	[sflag:s21] =	ssyncset.done $0x0  }
0x102: {  	s0 =	sadd.s32 s3, s0;
	[sflag:s21] =	ssyncadd.s32 $0xFFFFE000;
	s21 =	simm.s32 $0x14  }
0x103: {  	[hbm4b:s0+s4] =	stream.linear.scatter [tilespmem:s31], [sflag:$0x15], $0x2000, $0x38;
	[tilespmem:$0x1A880] =	vst v63  }
0x104: {  	_ =	swait.ge [sflag:s21], $0x2000  }
0x105: {  	[sflag:s21] =	ssyncset.done $0x0  }
0x106: {  	s24 =	sadd.s32 $0x4C0, s30;
	[sflag:s21] =	ssyncadd.s32 $0xFFFFE000  }
0x107: {  	[tilespmem:s22], [sflag:$0x8] =	stream.indirect.gather [hbm4b:s2+s18], $0x80, s24, s18, $0xb8;
	[tilespmem:$0x1A880] =	vst v63  }
0x108: {  	s22 =	simm.s32 $0xA  }
0x109: {  	s24 =	sadd.s32 s29, s13;
	_ =	swait.ge [sflag:s22], $0x2000  }
0x10a: {  	s0 =	sshll.u32 s24, $0x4;
	s24 =	simm.s32 $0x12C80;
	[sflag:s22] =	ssyncset.done $0x0  }
0x10b: {  	s0 =	sadd.s32 s3, s0;
	[sflag:s22] =	ssyncadd.s32 $0xFFFFE000;
	s22 =	simm.s32 $0x15  }
0x10c: {  	[hbm4b:s0+s4] =	stream.linear.scatter [tilespmem:s24], [sflag:$0x16], $0x2000, $0x38;
	[tilespmem:$0x1A880] =	vst v63  }
0x10d: {  	_ =	swait.ge [sflag:s22], $0x2000  }
0x10e: {  	[sflag:s22] =	ssyncset.done $0x0  }
0x10f: {  	s0 =	sadd.s32 $0x500, s30;
	[sflag:s22] =	ssyncadd.s32 $0xFFFFE000  }
0x110: {  	[tilespmem:s31], [sflag:$0x9] =	stream.indirect.gather [hbm4b:s2+s18], $0x80, s0, s18, $0xb8;
	[tilespmem:$0x1A880] =	vst v63  }
0x111: {  	s31 =	simm.s32 $0xB  }
0x112: {  	s0 =	sadd.s32 s29, s23;
	_ =	swait.ge [sflag:s31], $0x2000  }
0x113: {  	s0 =	sshll.u32 s0, $0x4;
	[sflag:s31] =	ssyncset.done $0x0  }
0x114: {  	s0 =	sadd.s32 s3, s0;
	[sflag:s31] =	ssyncadd.s32 $0xFFFFE000;
	s31 =	simm.s32 $0x14C80  }
0x115: {  	[hbm4b:s0+s4] =	stream.linear.scatter [tilespmem:s31], [sflag:$0x17], $0x2000, $0x38;
	[tilespmem:$0x1A880] =	vst v63  }
0x116: {  	s0 =	simm.s32 $0x16  }
0x117: {  	_ =	swait.ge [sflag:s0], $0x2000  }
0x118: {  	[sflag:s0] =	ssyncset.done $0x0  }
0x119: {  	[sflag:s0] =	ssyncadd.s32 $0xFFFFE000;
	s0 =	sadd.s32 $0x540, s30  }
0x11a: {  	[tilespmem:s24], [sflag:$0xA] =	stream.indirect.gather [hbm4b:s2+s18], $0x80, s0, s18, $0xb8;
	[tilespmem:$0x1A880] =	vst v63  }
0x11b: {  	_ =	swait.ge [sflag:s5], $0x2000  }
0x11c: {  	s24 =	sld [smem:$0x7FB]  }
0x11d: {  	p2 =	por p1, p1;
	p1 =	por $0x0, $0x0  }
0x11e: {  	s6 =	simm.s32 $0xC80;
	s14 =	simm.s32 $0x2C80;
	s15 =	simm.s32 $0x4C80  }
0x11f: {  	s16 =	simm.s32 $0x6C80;
	s26 =	simm.s32 $0x8C80;
	s0 =	sadd.s32 s24, s28  }
0x120: {  	s19 =	simm.s32 $0xAC80;
	[sflag:s5] =	ssyncset.done $0x0;
	s0 =	sshll.u32 s0, $0x4  }
0x121: {  	[sflag:s5] =	ssyncadd.s32 $0xFFFFE000;
	s24 =	simm.s32 $0x17;
	s0 =	sadd.s32 s3, s0  }
0x122: {  	[hbm4b:s0+s4] =	stream.linear.scatter [tilespmem:s25], [sflag:$0x18], $0x2000, $0x38;
	[tilespmem:$0x1A880] =	vst v63  }
.Ltmp0:
0x123: {  	s20 =	simm.s32 $0xCC80;
	_ =	swait.ge [sflag:s24], $0x2000;
	(pc) =	sbr.rel @p2 .LBB2_2-.Ltmp0, $4  }
0x124: {  	s21 =	simm.s32 $0xEC80;
	s22 =	simm.s32 $0x10C80;
	[sflag:s24] =	ssyncset.done $0x0  }
0x125: {  	s29 =	simm.s32 $0x12C80;
	s28 =	sadd.s32 $0x580, s30;
	[sflag:s24] =	ssyncadd.s32 $0xFFFFE000  }
0x126: {  	[tilespmem:s31], [sflag:$0xB] =	stream.indirect.gather [hbm4b:s2+s18], $0x80, s28, s18, $0xb8;
	[tilespmem:$0x1A880] =	vst v63  }
0x127: {  	s30 =	simm.s32 $0x2;
	s24 =	simm.s32 $0x14C80;
	s31 =	simm.s32 $0x18  }
0x128: {  	s0 =	simm.s32 $0x1  }
0x129: {  	_ =	swait.ge [sflag:s0], $0x2000  }
0x12a: {  	[sflag:s0] =	ssyncset.done $0x0  }
0x12b: {  	s10 =	rddreg [dreg:$0x12];
	[sflag:s0] =	ssyncadd.s32 $0xFFFFE000  }
0x12c: {  	[hbm4b:s10+s4] =	stream.linear.scatter [tilespmem:s6], [sflag:$0xD], $0x2000, $0x38;
	[tilespmem:$0x1A880] =	vst v63  }
0x12d: {  	_ =	swait.ge [sflag:s31], $0x2000  }
0x12e: {  	s28 =	simm.s32 @!p0 $0x16C80;
	s17 =	simm.s32 $0x2;
	[sflag:s31] =	ssyncset.done $0x0  }
0x12f: {  	s0 =	simm.s32 @!p0 $0x40;
	s6 =	simm.s32 @!p0 $0xBC0;
	[sflag:s31] =	ssyncadd.s32 $0xFFFFE000  }
0x130: {  	[tilespmem:s28], [sflag:$0xC] =	stream.indirect.gather @!p0 [hbm4b:s2+s0], $0x80, s6, s0, $0xb8;
	[tilespmem:$0x1A880] =	vst v63  }
0x131: {  	_ =	swait.ge [sflag:s17], $0x2000  }
0x132: {  	[sflag:s17] =	ssyncset.done $0x0  }
0x133: {  	s12 =	simm.s32 $0x3;
	s11 =	rddreg [dreg:$0x13];
	[sflag:s17] =	ssyncadd.s32 $0xFFFFE000  }
0x134: {  	[hbm4b:s11+s4] =	stream.linear.scatter [tilespmem:s14], [sflag:$0xE], $0x2000, $0x38;
	[tilespmem:$0x1A880] =	vst v63  }
0x135: {  	_ =	swait.ge [sflag:s12], $0x2000  }
0x136: {  	[sflag:s12] =	ssyncset.done $0x0  }
0x137: {  	s14 =	simm.s32 $0x4;
	s13 =	rddreg [dreg:$0x14];
	[sflag:s12] =	ssyncadd.s32 $0xFFFFE000  }
0x138: {  	[hbm4b:s13+s4] =	stream.linear.scatter [tilespmem:s15], [sflag:$0xF], $0x2000, $0x38;
	[tilespmem:$0x1A880] =	vst v63  }
0x139: {  	_ =	swait.ge [sflag:s14], $0x2000  }
0x13a: {  	[sflag:s14] =	ssyncset.done $0x0  }
0x13b: {  	s15 =	rddreg [dreg:$0x15];
	[sflag:s14] =	ssyncadd.s32 $0xFFFFE000  }
0x13c: {  	[hbm4b:s15+s4] =	stream.linear.scatter [tilespmem:s16], [sflag:$0x10], $0x2000, $0x38;
	[tilespmem:$0x1A880] =	vst v63  }
0x13d: {  	s16 =	simm.s32 $0x5  }
0x13e: {  	_ =	swait.ge [sflag:s16], $0x2000  }
0x13f: {  	[sflag:s16] =	ssyncset.done $0x0  }
0x140: {  	s30 =	simm.s32 $0x6;
	s23 =	rddreg [dreg:$0x16];
	[sflag:s16] =	ssyncadd.s32 $0xFFFFE000  }
0x141: {  	[hbm4b:s23+s4] =	stream.linear.scatter [tilespmem:s26], [sflag:$0x11], $0x2000, $0x38;
	[tilespmem:$0x1A880] =	vst v63  }
0x142: {  	_ =	swait.ge [sflag:s30], $0x2000  }
0x143: {  	[sflag:s30] =	ssyncset.done $0x0  }
0x144: {  	s5 =	simm.s32 $0x7;
	s1 =	rddreg [dreg:$0x17];
	[sflag:s30] =	ssyncadd.s32 $0xFFFFE000  }
0x145: {  	[hbm4b:s1+s4] =	stream.linear.scatter [tilespmem:s19], [sflag:$0x12], $0x2000, $0x38;
	[tilespmem:$0x1A880] =	vst v63  }
0x146: {  	_ =	swait.ge [sflag:s5], $0x2000  }
0x147: {  	[sflag:s5] =	ssyncset.done $0x0  }
0x148: {  	s7 =	simm.s32 $0x8;
	s6 =	rddreg [dreg:$0x18];
	[sflag:s5] =	ssyncadd.s32 $0xFFFFE000  }
0x149: {  	[hbm4b:s6+s4] =	stream.linear.scatter [tilespmem:s20], [sflag:$0x13], $0x2000, $0x38;
	[tilespmem:$0x1A880] =	vst v63  }
0x14a: {  	_ =	swait.ge [sflag:s7], $0x2000  }
0x14b: {  	[sflag:s7] =	ssyncset.done $0x0  }
0x14c: {  	s9 =	simm.s32 $0x9;
	s8 =	rddreg [dreg:$0x19];
	[sflag:s7] =	ssyncadd.s32 $0xFFFFE000  }
0x14d: {  	[hbm4b:s8+s4] =	stream.linear.scatter [tilespmem:s21], [sflag:$0x14], $0x2000, $0x38;
	[tilespmem:$0x1A880] =	vst v63  }
0x14e: {  	_ =	swait.ge [sflag:s9], $0x2000  }
0x14f: {  	[sflag:s9] =	ssyncset.done $0x0  }
0x150: {  	s11 =	simm.s32 $0xA;
	s10 =	rddreg [dreg:$0x1a];
	[sflag:s9] =	ssyncadd.s32 $0xFFFFE000  }
0x151: {  	[hbm4b:s10+s4] =	stream.linear.scatter [tilespmem:s22], [sflag:$0x15], $0x2000, $0x38;
	[tilespmem:$0x1A880] =	vst v63  }
0x152: {  	_ =	swait.ge [sflag:s11], $0x2000  }
0x153: {  	[sflag:s11] =	ssyncset.done $0x0  }
0x154: {  	s13 =	simm.s32 $0xB;
	s12 =	rddreg [dreg:$0x1b];
	[sflag:s11] =	ssyncadd.s32 $0xFFFFE000  }
0x155: {  	[hbm4b:s12+s4] =	stream.linear.scatter [tilespmem:s29], [sflag:$0x16], $0x2000, $0x38;
	[tilespmem:$0x1A880] =	vst v63  }
0x156: {  	_ =	swait.ge [sflag:s13], $0x2000  }
0x157: {  	[sflag:s13] =	ssyncset.done $0x0  }
0x158: {  	s0 =	simm.s32 @!p0 $0xC;
	s14 =	rddreg [dreg:$0x1c];
	[sflag:s13] =	ssyncadd.s32 $0xFFFFE000  }
0x159: {  	[hbm4b:s14+s4] =	stream.linear.scatter [tilespmem:s24], [sflag:$0x17], $0x2000, $0x38;
	[tilespmem:$0x1A880] =	vst v63  }
0x15a: {  	_ =	swait.ge @!p0 [sflag:s0], $0x2000  }
0x15b: {  	s1 =	simm.s32 $0xD;
	[sflag:s0] =	ssyncset.done @!p0 $0x0  }
0x15c: {  	s6 =	rddreg [dreg:$0x1d];
	[sflag:s0] =	ssyncadd.s32 @!p0 $0xFFFFE000;
	s0 =	simm.s32 @!p0 $0x0  }
0x15d: {  	[hbm4b:s6+s0] =	stream.linear.scatter @!p0 [tilespmem:s28], [sflag:$0x18], $0x2000, $0x38;
	[tilespmem:$0x1A880] =	vst v63  }
0x15e: {  	_ =	swait.ge [sflag:s1], $0x2000  }
0x15f: {  	[sflag:s1] =	ssyncset.done $0x0  }
0x160: {  	s15 =	simm.s32 $0xE;
	[sflag:s1] =	ssyncadd.s32 $0xFFFFE000  }
0x161: {  	_ =	swait.ge [sflag:s15], $0x2000  }
0x162: {  	[sflag:s15] =	ssyncset.done $0x0  }
0x163: {  	s16 =	simm.s32 $0xF;
	[sflag:s15] =	ssyncadd.s32 $0xFFFFE000  }
0x164: {  	_ =	swait.ge [sflag:s16], $0x2000  }
0x165: {  	[sflag:s16] =	ssyncset.done $0x0  }
0x166: {  	s19 =	simm.s32 $0x10;
	[sflag:s16] =	ssyncadd.s32 $0xFFFFE000  }
0x167: {  	_ =	swait.ge [sflag:s19], $0x2000  }
0x168: {  	[sflag:s19] =	ssyncset.done $0x0  }
0x169: {  	s20 =	simm.s32 $0x11;
	[sflag:s19] =	ssyncadd.s32 $0xFFFFE000  }
0x16a: {  	_ =	swait.ge [sflag:s20], $0x2000  }
0x16b: {  	[sflag:s20] =	ssyncset.done $0x0  }
0x16c: {  	s21 =	simm.s32 $0x12;
	[sflag:s20] =	ssyncadd.s32 $0xFFFFE000  }
0x16d: {  	_ =	swait.ge [sflag:s21], $0x2000  }
0x16e: {  	[sflag:s21] =	ssyncset.done $0x0  }
0x16f: {  	s22 =	simm.s32 $0x13;
	[sflag:s21] =	ssyncadd.s32 $0xFFFFE000  }
0x170: {  	_ =	swait.ge [sflag:s22], $0x2000  }
0x171: {  	[sflag:s22] =	ssyncset.done $0x0  }
0x172: {  	s23 =	simm.s32 $0x14;
	[sflag:s22] =	ssyncadd.s32 $0xFFFFE000  }
0x173: {  	_ =	swait.ge [sflag:s23], $0x2000  }
0x174: {  	[sflag:s23] =	ssyncset.done $0x0  }
0x175: {  	s24 =	simm.s32 $0x15;
	[sflag:s23] =	ssyncadd.s32 $0xFFFFE000  }
0x176: {  	_ =	swait.ge [sflag:s24], $0x2000  }
0x177: {  	[sflag:s24] =	ssyncset.done $0x0  }
0x178: {  	s26 =	simm.s32 $0x16;
	[sflag:s24] =	ssyncadd.s32 $0xFFFFE000  }
0x179: {  	_ =	swait.ge [sflag:s26], $0x2000  }
0x17a: {  	[sflag:s26] =	ssyncset.done $0x0  }
0x17b: {  	s28 =	simm.s32 $0x17;
	[sflag:s26] =	ssyncadd.s32 $0xFFFFE000  }
0x17c: {  	_ =	swait.ge [sflag:s28], $0x2000  }
0x17d: {  	[sflag:s28] =	ssyncset.done $0x0  }
0x17e: {  	s6 =	simm.s32 @p0 $0x19;
	[sflag:s28] =	ssyncadd.s32 $0xFFFFE000  }
0x17f: {  	_ =	swait.ge @p0 [sflag:s6], $0xC00  }
0x180: {  	s1 =	sld [smem:$0x7FD]  }
0x181: {  	[sflag:s6] =	ssyncset.done @p0 $0x0  }
0x182: {  	s28 =	simm.s32 @p0 $0x18C80;
	[sflag:s6] =	ssyncadd.s32 @p0 $0xFFFFF400;
	s6 =	simm.s32 @p0 $0x0  }
0x183: {  	[hbm4b:s1+s6] =	stream.linear.scatter @p0 [tilespmem:s28], [sflag:$0x1A], $0xC00, $0x38;
	[tilespmem:$0x1A880] =	vst v63  }
0x184: {  	s6 =	simm.s32 @p0 $0x1A  }
0x185: {  	_ =	swait.ge @p0 [sflag:s6], $0xC00  }
0x186: {  	[sflag:s6] =	ssyncset.done @p0 $0x0  }
0x187: {  	[sflag:s6] =	ssyncadd.s32 @p0 $0xFFFFF400;
	s6 =	simm.s32 @!p0 $0x18  }
0x188: {  	_ =	swait.ge @!p0 [sflag:s6], $0x2000  }
0x189: {  	[sflag:s6] =	ssyncset.done @!p0 $0x0  }
0x18a: {  	[sflag:s6] =	ssyncadd.s32 @!p0 $0xFFFFE000;
	s6 =	simm.s32 @!p0 $0x19  }
0x18b: {  	_ =	swait.ge @!p0 [sflag:s6], $0x1C00  }
0x18c: {  	[sflag:s6] =	ssyncset.done @!p0 $0x0  }
0x18d: {  	s28 =	rddreg [dreg:$0x1e];
	[sflag:s6] =	ssyncadd.s32 @!p0 $0xFFFFE400;
	s6 =	simm.s32 @!p0 $0x18C80  }
0x18e: {  	[hbm4b:s28+s0] =	stream.linear.scatter @!p0 [tilespmem:s6], [sflag:$0x1A], $0x1C00, $0x38;
	[tilespmem:$0x1A880] =	vst v63  }
0x18f: {  	s0 =	simm.s32 @!p0 $0x1A  }
0x190: {  	_ =	swait.ge @!p0 [sflag:s0], $0x1C00  }
0x191: {  	s29 =	sld [smem:$0x7F1];
	_ =	sdelay $0x2  }
0x192: {  	s30 =	rddreg [dreg:$0x1f];
	s1 =	sadd.s32 $0x1, s29  }
0x193: {  	p1 =	sne.s32 s1, s30  }
.Ltmp1:
0x194: {  	_ = 	snop;
	(pc) =	sbr.rel @p1 .LBB2_1-.Ltmp1, $3  }
0x195: {  	_ =	sdelay $0x1  }
0x196: {  	[sflag:s0] =	ssyncset.done @!p0 $0x0  }
0x197: {  	s5 =	simm.s32 $0xC;
	s16 =	simm.s32 $0x16C80;
	[sflag:s0] =	ssyncadd.s32 @!p0 $0xFFFFE400  }
0x198: {  	_ =	sfence.sel $0x180000  }
0x199: {  	[bflag:$0x0] =	sbarrier.arrive $0xFFFF  }
0x19a: {  	_ =	strace $0x90000047  }
0x19b: {  	s0 =	stileid.u32;
	[bflag:$0x2] =	sbarrier.arrive $0xFFFF  }
0x19c: {  	p0 =	sne.s32 s0, $0x0;
	s0 =	rddreg [dreg:$0x3]  }
0x19d: {  	s0 =	sadd.s32 @!p0 $0x100000, s0  }
0x19e: {  	[sflag:s0] =	ssyncadd.tile.s32 @!p0 $0x1;
	_ =	shalt  }
.Lfunc_end2:
_tile_overlayer_lowered:
.L_overlay_start_2:
0x19f: {  	(tag) =	ssettag $0x2  }
0x1a0: {  	s0 =	rddreg [dreg:$0x0];
	s2 =	stileid.u32  }
0x1a1: {  	s1 =	rddreg [dreg:$0x1];
	p0 =	sne.s32 s2, $0x0  }
0x1a2: {  	s3 =	rddreg [dreg:$0x2];
	[bflag:$0x3] =	sbarrier.arrive $0xFFFF;
	s2 =	simm.s32 @!p0 $0x1C1B  }
0x1a3: {  	[timem:s3], [sflag:s2] =	dma.local @!p0 [hbm:s0], s1  }
0x1a4: {  	s0 =	simm.s32 @!p0 $0x1B  }
0x1a5: {  	_ =	swait.ge @!p0 [sflag:s0], s1  }
0x1a6: {  	s1 =	ssub.s32 @!p0 $0x0, s1;
	[sflag:s0] =	ssyncset.done @!p0 $0x0  }
0x1a7: {  	[sflag:s0] =	ssyncadd.s32 @!p0 s1  }
0x1a8: {  	[bflag:$0x3] =	sbarrier.arrive $0xFFFF  }
0x1a9: {  	_ =	shalt  }

</sc_bundles>
